<compile_context>
chip_gen: v7x
topology: tpu7x:2x2x1
jax: 0.10.2.dev20260603
libtpu: 0.0.44.dev20260713+nightly
codegen_flags: <defaults>
</compile_context>

<pallas_src>
import functools

import jax
import jax.numpy as jnp
from jax import lax
from jax.experimental import pallas as pl
from jax.experimental.pallas import tpu as pltpu
from jax.experimental.pallas import tpu_sc as plsc

B = 4
MODEL_DIM = 1024
HIGH_DIM = 4096
KEEP = 256
L = 2048

O_TILE = 512
L_TILE = 512

GROUP = 16
NGROUPS = (HIGH_DIM // GROUP) * L

NC = 2
NS = 16
NT = NC * NS
TPB = NT // B
CHUNK = NGROUPS // TPB
NV = CHUNK // 16
NBKT = 256
HSIZE = NBKT * 16
CAP = 512
NSEL = 512


def _mm1_body(x_ref, w1_ref, b1_ref, h_ref, gmax_ref):
    w = w1_ref[...]
    xt = x_ref[0]
    acc = jnp.dot(w, xt, preferred_element_type=jnp.float32)
    ht = acc + b1_ref[...]
    h_ref[0] = ht
    gmax_ref[...] = jnp.max(ht.reshape(O_TILE // GROUP, GROUP, L_TILE), axis=1)


def _matmul1(x, W1, b1c):
    grid = (B, HIGH_DIM // O_TILE, L // L_TILE)
    return pl.pallas_call(
        _mm1_body,
        grid=grid,
        in_specs=[
            pl.BlockSpec((1, MODEL_DIM, L_TILE), lambda b, o, l: (b, 0, l)),
            pl.BlockSpec((O_TILE, MODEL_DIM), lambda b, o, l: (o, 0)),
            pl.BlockSpec((O_TILE, 1), lambda b, o, l: (o, 0)),
        ],
        out_specs=[
            pl.BlockSpec((1, O_TILE, L_TILE), lambda b, o, l: (b, o, l)),
            pl.BlockSpec(
                (O_TILE // GROUP, L_TILE),
                lambda b, o, l: (b * (HIGH_DIM // O_TILE) + o, l)),
        ],
        out_shape=[
            jax.ShapeDtypeStruct((B, HIGH_DIM, L), jnp.float32),
            jax.ShapeDtypeStruct((B * (HIGH_DIM // GROUP), L), jnp.float32),
        ],
    )(x, W1, b1c)


def _select_body(gmax_hbm, cand_hbm, buf, hist, red, tmp, outb, shared):
    c = lax.axis_index("c")
    s = lax.axis_index("s")
    wid = c * NS + s
    b = wid // TPB
    t = wid % TPB
    base = t * CHUNK
    sbase = (s // (NS // 2)) * (NS // 2)

    lanes = lax.iota(jnp.int32, 16)
    ones = jnp.ones((16,), jnp.int32)
    zero16 = jnp.zeros((16,), jnp.int32)
    neg16 = jnp.full((16,), -1, jnp.int32)

    row0 = b * (HIGH_DIM // GROUP) + t * (CHUNK // L)
    pltpu.sync_copy(gmax_hbm.at[pl.ds(row0, CHUNK // L), :], buf)

    def keys_at(v):
        x = buf[v >> 7, pl.ds((v & 127) * 16, 16)]
        i = lax.bitcast_convert_type(x, jnp.int32)
        return jnp.where(i < 0, i ^ jnp.int32(0x7FFFFFFF), i)

    def zero_ref(ref):
        def body(i, carry):
            ref[pl.ds(i * 16, 16)] = zero16
            return carry
        lax.fori_loop(0, HSIZE // 16, body, 0)

    def reduce_team():
        pltpu.sync_copy(shared.at[pl.ds(sbase * HSIZE, HSIZE)], red)

        def row(j, carry):
            pltpu.sync_copy(shared.at[pl.ds((sbase + j) * HSIZE, HSIZE)], tmp)

            def addv(i, c2):
                red[pl.ds(i * 16, 16)] = (red[pl.ds(i * 16, 16)]
                                          + tmp[pl.ds(i * 16, 16)])
                return c2
            lax.fori_loop(0, HSIZE // 16, addv, 0)
            return carry
        lax.fori_loop(1, TPB, row, 0)

    def suffix_scan(init_cnt):
        def body(i, carry):
            suffix, bstar, chi = carry
            bkt = 255 - i
            cnt = jnp.sum(red[pl.ds(bkt * 16, 16)])
            nsuf = suffix + cnt
            crossed = jnp.logical_and(nsuf >= KEEP, bstar < 0)
            bstar = jnp.where(crossed, bkt, bstar)
            chi = jnp.where(crossed, suffix, chi)
            return (nsuf, bstar, chi)
        return lax.fori_loop(
            0, NBKT, body, (init_cnt, jnp.int32(-1), jnp.int32(0)))

    zero_ref(hist)

    def h1(v, carry):
        k = keys_at(v)
        bkt = lax.shift_right_arithmetic(k, 24) + 128
        plsc.addupdate_scatter(hist, [bkt * 16 + lanes], ones)
        return carry
    lax.fori_loop(0, NV, h1, 0)

    pltpu.sync_copy(hist, shared.at[pl.ds(s * HSIZE, HSIZE)])
    plsc.subcore_barrier()
    reduce_team()
    plsc.subcore_barrier()
    _, b1, chi1 = suffix_scan(jnp.int32(0))

    zero_ref(hist)

    def h2(v, carry):
        k = keys_at(v)
        in_b1 = (lax.shift_right_arithmetic(k, 24) + 128) == b1
        b2 = lax.shift_right_logical(k, 16) & 0xFF
        plsc.addupdate_scatter(hist, [b2 * 16 + lanes], ones, mask=in_b1)
        return carry
    lax.fori_loop(0, NV, h2, 0)

    pltpu.sync_copy(hist, shared.at[pl.ds(s * HSIZE, HSIZE)])
    plsc.subcore_barrier()
    reduce_team()
    _, b2s, _ = suffix_scan(chi1)

    theta = lax.shift_left(b1 - 128, 24) + lax.shift_left(b2s, 16)

    def init_out(i, carry):
        outb[pl.ds(i * 16, 16)] = neg16
        return carry
    lax.fori_loop(0, CAP // 16, init_out, 0)

    def comp(v, off):
        k = keys_at(v)
        m = k >= theta
        cnt = jnp.sum(m.astype(jnp.int32))
        can = off <= CAP - 16

        @pl.when(jnp.logical_and(can, cnt > 0))
        def _():
            plsc.store_compressed(outb.at[pl.ds(off, 16)],
                                  base + v * 16 + lanes, mask=m)

        return off + jnp.where(can, cnt, jnp.int32(0))
    lax.fori_loop(0, NV, comp, jnp.int32(0))

    pltpu.sync_copy(outb, cand_hbm.at[pl.ds(wid * CAP, CAP)])


@functools.partial(
    pl.kernel,
    mesh=plsc.VectorSubcoreMesh(core_axis_name="c", subcore_axis_name="s"),
    out_type=jax.ShapeDtypeStruct((NT * CAP,), jnp.int32),
    scratch_types=[
        pltpu.VMEM((CHUNK // L, L), jnp.float32),
        pltpu.VMEM((HSIZE,), jnp.int32),
        pltpu.VMEM((HSIZE,), jnp.int32),
        pltpu.VMEM((HSIZE,), jnp.int32),
        pltpu.VMEM((CAP,), jnp.int32),
        pltpu.VMEM_SHARED((NS * HSIZE,), jnp.int32),
    ],
    compiler_params=pltpu.CompilerParams(needs_layout_passes=False,
                                         use_tc_tiling_on_sc=True),
)
def _select_groups(gmax_hbm, cand_hbm, buf, hist, red, tmp, outb, shared):
    _select_body(gmax_hbm, cand_hbm, buf, hist, red, tmp, outb, shared)


def _mm2_body(w2_ref, o_ref, v_ref, l_ref, b2_ref, y_ref):
    o = o_ref[0]
    v = v_ref[0]
    li = l_ref[0]
    ch = lax.broadcasted_iota(jnp.int32, (KEEP, HIGH_DIM), 1)
    e = jnp.where(o == ch, 1.0, 0.0)
    a = lax.dot_general(e, w2_ref[...], (((1,), (1,)), ((), ())),
                        preferred_element_type=jnp.float32)
    cols = lax.broadcasted_iota(jnp.int32, (KEEP, L), 1)
    p = jnp.where(li == cols, v, 0.0)
    acc = lax.dot_general(a, p, (((0,), (0,)), ((), ())),
                          preferred_element_type=jnp.float32)
    y_ref[0] = acc + b2_ref[...]


def _matmul2(W2, o_idx, vals, l_idx, b2c):
    return pl.pallas_call(
        _mm2_body,
        grid=(B,),
        in_specs=[
            pl.BlockSpec((MODEL_DIM, HIGH_DIM), lambda b: (0, 0)),
            pl.BlockSpec((1, KEEP, 1), lambda b: (b, 0, 0)),
            pl.BlockSpec((1, KEEP, 1), lambda b: (b, 0, 0)),
            pl.BlockSpec((1, KEEP, 1), lambda b: (b, 0, 0)),
            pl.BlockSpec((MODEL_DIM, 1), lambda b: (0, 0)),
        ],
        out_specs=pl.BlockSpec((1, MODEL_DIM, L), lambda b: (b, 0, 0)),
        out_shape=jax.ShapeDtypeStruct((B, MODEL_DIM, L), jnp.float32),
    )(W2, o_idx[:, :, None], vals[:, :, None], l_idx[:, :, None], b2c)


def kernel(x, W1, b1, W2, b2):
    b1c = b1[:, None]
    b2c = b2[:, None]

    h, gmax = _matmul1(x, W1, b1c)

    cand = _select_groups(gmax)
    slots = cand.reshape(B, TPB * CAP)
    top_slots, _ = lax.top_k(slots, NSEL)
    valid = top_slots >= 0
    gid = jnp.maximum(top_slots, 0)
    gm = gid // L
    gl = gid % L

    hf = h.reshape(B, HIGH_DIM * L)
    cf = ((gm[:, :, None] * GROUP + jnp.arange(GROUP)[None, None, :]) * L
          + gl[:, :, None])
    cf = jnp.where(valid[:, :, None], cf, HIGH_DIM * L).reshape(B, NSEL * GROUP)
    cf = jnp.sort(cf, axis=1)
    cv = jnp.take_along_axis(hf, jnp.minimum(cf, HIGH_DIM * L - 1), axis=1)
    cv = jnp.where(cf >= HIGH_DIM * L, -jnp.inf, cv)
    vals, pos = lax.top_k(cv, KEEP)
    idx = jnp.take_along_axis(cf, pos, axis=1)
    o_idx = idx // L
    l_idx = idx % L

    return _matmul2(W2, o_idx, vals, l_idx, b2c)

# --- scband reference (transcript-rebuilt; emitter-appended) ---
"""Pipeline reference for scband-elementwise-sparsity-63763084476978 (READ-ONLY COPY).

The authoritative reference and input builder live on the scoring server;
editing this copy changes nothing except your own understanding.
"""

import jax, jax.numpy as jnp
import numpy as np

B = 4
MODEL_DIM = 1024
HIGH_DIM = 4096
KEEP = 256
L = 2048


def setup_inputs(seed: int = 0) -> dict:
    key = jax.random.key(seed)
    k1, k2, k3, k4, k5 = jax.random.split(key, 5)
    x = jax.random.normal(k1, (B, MODEL_DIM, L), dtype=jnp.float32)
    # Conv1d with kernel_size=1 is a pointwise linear over the channel dim.
    W1 = jax.random.normal(k2, (HIGH_DIM, MODEL_DIM), dtype=jnp.float32) * (1.0 / np.sqrt(MODEL_DIM))
    b1 = jax.random.normal(k3, (HIGH_DIM,), dtype=jnp.float32) * 0.01
    W2 = jax.random.normal(k4, (MODEL_DIM, HIGH_DIM), dtype=jnp.float32) * (1.0 / np.sqrt(HIGH_DIM))
    b2 = jax.random.normal(k5, (MODEL_DIM,), dtype=jnp.float32) * 0.01
    return {"x": x, "W1": W1, "b1": b1, "W2": W2, "b2": b2}


def _sparsify(h, n_to_keep):
    orig_shape = h.shape
    hf = h.reshape(h.shape[0], -1)
    vals, idx = jax.lax.top_k(hf, n_to_keep)
    rows = jnp.arange(hf.shape[0])[:, None]
    out = jnp.zeros_like(hf).at[rows, idx].set(vals)
    return out.reshape(orig_shape)


def reference(x, W1, b1, W2, b2):
    # expand: Conv1d(model_dim -> high_dim, kernel=1)
    h = jnp.einsum('bcl,oc->bol', x, W1) + b1[None, :, None]
    # sparsify: keep top-KEEP elements per batch row over flattened (high_dim*L)
    h = _sparsify(h, KEEP)
    # contract: Conv1d(high_dim -> model_dim, kernel=1)
    y = jnp.einsum('bcl,oc->bol', h, W2) + b2[None, :, None]
    return y

if __name__ == "__main__":
    import jax
    _d = setup_inputs()
    print(jax.jit(kernel)(*tuple(_d.values())))

</pallas_src>

<mosaic_0001>
#map = affine_map<(d0, d1) -> (0, 0)>
#map1 = affine_map<(d0, d1) -> (0)>
module attributes {stable_mosaic.version = 14 : i64} {
  func.func @_select_groups(%arg0: i32, %arg1: i32, %arg2: memref<1024x2048xf32, #tpu.memory_space<hbm>>, %arg3: memref<16384xi32, #tpu.memory_space<hbm>>, %arg4: memref<32x2048xf32, #tpu.memory_space<vmem>>, %arg5: memref<4096xi32, #tpu.memory_space<vmem>>, %arg6: memref<4096xi32, #tpu.memory_space<vmem>>, %arg7: memref<4096xi32, #tpu.memory_space<vmem>>, %arg8: memref<512xi32, #tpu.memory_space<vmem>>, %arg9: memref<65536xi32, #tpu.memory_space<vmem_shared>>) attributes {dimension_semantics = [#tpu.dimension_semantics<core_parallel>, #tpu.dimension_semantics<subcore_parallel>], iteration_bounds = array<i64: 2, 16>, scalar_prefetch = 0 : i64, scratch_operands = 6 : i64, tpu.core_type = #tpu.core_type<sc_vector_subcore>, window_params = [{transform_indices = #map}, {transform_indices = #map1}]} {
    %mul3A = arith.constant 16 : i32
    %mul3A_0 = arith.muli %arg0, %mul3A : i32
    %add3A = arith.addi %mul3A_0, %arg1 : i32
    %jit3A = arith.constant 8 : i32
    %div3A = arith.divsi %add3A, %jit3A : i32
    %sign3A = arith.constant 0 : i32
    %sign3A_1 = arith.cmpi sgt, %add3A, %sign3A : i32
    %sign3A_2 = arith.extui %sign3A_1 : i1 to i32
    %sign3A_3 = arith.constant 0 : i32
    %sign3A_4 = arith.cmpi slt, %add3A, %sign3A_3 : i32
    %sign3A_5 = arith.extui %sign3A_4 : i1 to i32
    %sign3A_6 = arith.subi %sign3A_2, %sign3A_5 : i32
    %sign3A_7 = arith.constant 0 : i32
    %sign3A_8 = arith.cmpi sgt, %jit3A, %sign3A_7 : i32
    %sign3A_9 = arith.extui %sign3A_8 : i1 to i32
    %sign3A_10 = arith.constant 0 : i32
    %sign3A_11 = arith.cmpi slt, %jit3A, %sign3A_10 : i32
    %sign3A_12 = arith.extui %sign3A_11 : i1 to i32
    %sign3A_13 = arith.subi %sign3A_9, %sign3A_12 : i32
    %ne3A = arith.cmpi ne, %sign3A_6, %sign3A_13 : i32
    %rem3A = arith.remsi %add3A, %jit3A : i32
    %ne3A_14 = arith.constant 0 : i32
    %ne3A_15 = arith.cmpi ne, %rem3A, %ne3A_14 : i32
    %and3A = arith.andi %ne3A, %ne3A_15 : i1
    %sub3A = arith.constant 1 : i32
    %sub3A_16 = arith.subi %div3A, %sub3A : i32
    %select_n3A = arith.select %and3A, %sub3A_16, %div3A : i32
    %jit3A_17 = arith.constant 8 : i32
    %eq3A = arith.constant 0 : i32
    %eq3A_18 = arith.cmpi eq, %jit3A_17, %eq3A : i32
    %jit3A_19 = arith.constant 1 : i32
    %select_n3A_20 = arith.select %eq3A_18, %jit3A_19, %jit3A_17 : i32
    %rem3A_21 = arith.remsi %add3A, %select_n3A_20 : i32
    %ne3A_22 = arith.constant 0 : i32
    %ne3A_23 = arith.cmpi ne, %rem3A_21, %ne3A_22 : i32
    %lt3A = arith.constant 0 : i32
    %lt3A_24 = arith.cmpi slt, %rem3A_21, %lt3A : i32
    %lt3A_25 = arith.constant 0 : i32
    %lt3A_26 = arith.cmpi slt, %select_n3A_20, %lt3A_25 : i32
    %ne3A_27 = arith.xori %lt3A_24, %lt3A_26 : i1
    %and3A_28 = arith.andi %ne3A_27, %ne3A_23 : i1
    %add3A_29 = arith.addi %rem3A_21, %select_n3A_20 : i32
    %select_n3A_30 = arith.select %and3A_28, %add3A_29, %rem3A_21 : i32
    %mul3A_31 = arith.constant 65536 : i32
    %mul3A_32 = arith.muli %select_n3A_30, %mul3A_31 : i32
    %jit3A_33 = arith.constant 8 : i32
    %div3A_34 = arith.divsi %arg1, %jit3A_33 : i32
    %sign3A_35 = arith.constant 0 : i32
    %sign3A_36 = arith.cmpi sgt, %arg1, %sign3A_35 : i32
    %sign3A_37 = arith.extui %sign3A_36 : i1 to i32
    %sign3A_38 = arith.constant 0 : i32
    %sign3A_39 = arith.cmpi slt, %arg1, %sign3A_38 : i32
    %sign3A_40 = arith.extui %sign3A_39 : i1 to i32
    %sign3A_41 = arith.subi %sign3A_37, %sign3A_40 : i32
    %sign3A_42 = arith.constant 0 : i32
    %sign3A_43 = arith.cmpi sgt, %jit3A_33, %sign3A_42 : i32
    %sign3A_44 = arith.extui %sign3A_43 : i1 to i32
    %sign3A_45 = arith.constant 0 : i32
    %sign3A_46 = arith.cmpi slt, %jit3A_33, %sign3A_45 : i32
    %sign3A_47 = arith.extui %sign3A_46 : i1 to i32
    %sign3A_48 = arith.subi %sign3A_44, %sign3A_47 : i32
    %ne3A_49 = arith.cmpi ne, %sign3A_41, %sign3A_48 : i32
    %rem3A_50 = arith.remsi %arg1, %jit3A_33 : i32
    %ne3A_51 = arith.constant 0 : i32
    %ne3A_52 = arith.cmpi ne, %rem3A_50, %ne3A_51 : i32
    %and3A_53 = arith.andi %ne3A_49, %ne3A_52 : i1
    %sub3A_54 = arith.constant 1 : i32
    %sub3A_55 = arith.subi %div3A_34, %sub3A_54 : i32
    %select_n3A_56 = arith.select %and3A_53, %sub3A_55, %div3A_34 : i32
    %mul3A_57 = arith.constant 8 : i32
    %mul3A_58 = arith.muli %select_n3A_56, %mul3A_57 : i32
    %iota3A = tpu.iota {dimensions = array<i32: 0>} : vector<16xi32>
    %broadcast_in_dim3A = arith.constant 1 : i32
    %broadcast_in_dim3A_59 = vector.broadcast %broadcast_in_dim3A : i32 to vector<16xi32>
    %broadcast_in_dim3A_60 = arith.constant 0 : i32
    %broadcast_in_dim3A_61 = vector.broadcast %broadcast_in_dim3A_60 : i32 to vector<16xi32>
    %broadcast_in_dim3A_62 = arith.constant -1 : i32
    %broadcast_in_dim3A_63 = vector.broadcast %broadcast_in_dim3A_62 : i32 to vector<16xi32>
    %mul3A_64 = arith.constant 256 : i32
    %mul3A_65 = arith.muli %select_n3A, %mul3A_64 : i32
    %mul3A_66 = arith.constant 32 : i32
    %mul3A_67 = arith.muli %select_n3A_30, %mul3A_66 : i32
    %add3A_68 = arith.addi %mul3A_65, %mul3A_67 : i32
    "tpu.region"() ({
      %run_scoped3A = tpu.sem_alloc : memref<!tpu.dma_semaphore, #tpu.memory_space<semaphore_mem>>
      %dma_start3A = arith.constant 0 : i32
      %dma_start3A_152 = tpu.memref_slice %arg2[%add3A_68, %dma_start3A] : memref<1024x2048xf32, #tpu.memory_space<hbm>> -> memref<32x2048xf32, #tpu.memory_space<hbm>>
      %dma_start3A_153 = arith.constant 0 : i32
      %dma_start3A_154 = tpu.memref_slice %arg2[%add3A_68, %dma_start3A_153] : memref<1024x2048xf32, #tpu.memory_space<hbm>> -> memref<32x2048xf32, #tpu.memory_space<hbm>>
      tpu.enqueue_dma source(%dma_start3A_154 : memref<32x2048xf32, #tpu.memory_space<hbm>>) target(%arg4 : memref<32x2048xf32, #tpu.memory_space<vmem>>) target_semaphore(%run_scoped3A : memref<!tpu.dma_semaphore, #tpu.memory_space<semaphore_mem>>)
      %dma_wait3A = arith.constant 0 : i32
      %dma_wait3A_155 = tpu.memref_slice %arg2[%add3A_68, %dma_wait3A] : memref<1024x2048xf32, #tpu.memory_space<hbm>> -> memref<32x2048xf32, #tpu.memory_space<hbm>>
      %dma_wait3A_156 = arith.constant 0 : i32
      %dma_wait3A_157 = tpu.memref_slice %arg2[%add3A_68, %dma_wait3A_156] : memref<1024x2048xf32, #tpu.memory_space<hbm>> -> memref<32x2048xf32, #tpu.memory_space<hbm>>
      tpu.wait_dma2 semaphore(%run_scoped3A : memref<!tpu.dma_semaphore, #tpu.memory_space<semaphore_mem>>) src(%dma_wait3A_157 : memref<32x2048xf32, #tpu.memory_space<hbm>>) dst(%arg4 : memref<32x2048xf32, #tpu.memory_space<vmem>>)
      tpu.yield
    }) : () -> ()
    %scan3A = arith.constant 0 : i32
    %scan3A_69 = arith.constant 0 : i32
    %scan3A_70 = arith.constant 256 : i32
    %scan3A_71 = arith.addi %scan3A_69, %scan3A_70 : i32
    %scan3A_72 = arith.constant 1 : i32
    scf.for %scan3A_152 = %scan3A_69 to %scan3A_71 step %scan3A_72  : i32 {
      %mul3A_153 = arith.constant 16 : i32
      %mul3A_154 = arith.muli %scan3A_152, %mul3A_153 : i32
      %swap3A = arith.index_cast %mul3A_154 : i32 to index
      %swap3A_155 = tpu.vector_load %arg5[%swap3A] {strides = array<i32>} : memref<4096xi32, #tpu.memory_space<vmem>>, vector<16xi32>,
      tpu.vector_store %arg5[%swap3A], %broadcast_in_dim3A_61 {strides = array<i32>} : memref<4096xi32, #tpu.memory_space<vmem>>, vector<16xi32>,
    }
    %scan3A_73 = arith.constant 256 : i32
    %scan3A_74 = arith.constant 0 : i32
    %scan3A_75 = arith.constant 0 : i32
    %scan3A_76 = arith.constant 4096 : i32
    %scan3A_77 = arith.addi %scan3A_75, %scan3A_76 : i32
    %scan3A_78 = arith.constant 1 : i32
    scf.for %scan3A_152 = %scan3A_75 to %scan3A_77 step %scan3A_78  : i32 {
      %shift_right_arithmetic3A = arith.constant 7 : i32
      %shift_right_arithmetic3A_153 = arith.shrsi %scan3A_152, %shift_right_arithmetic3A : i32
      %and3A_154 = arith.constant 127 : i32
      %and3A_155 = arith.andi %scan3A_152, %and3A_154 : i32
      %mul3A_156 = arith.constant 16 : i32
      %mul3A_157 = arith.muli %and3A_155, %mul3A_156 : i32
      %get3A = arith.index_cast %shift_right_arithmetic3A_153 : i32 to index
      %get3A_158 = arith.index_cast %mul3A_157 : i32 to index
      %get3A_159 = tpu.vector_load %arg4[%get3A, %get3A_158] {strides = array<i32>} : memref<32x2048xf32, #tpu.memory_space<vmem>>, vector<16xf32>,
      %bitcast_convert_type3A = tpu.bitcast %get3A_159 : vector<16xf32> -> vector<16xi32>
      %lt3A_160 = arith.constant 0 : i32
      %lt3A_161 = vector.broadcast %lt3A_160 : i32 to vector<16xi32>
      %lt3A_162 = arith.cmpi slt, %bitcast_convert_type3A, %lt3A_161 : vector<16xi32>
      %xor3A = arith.constant 2147483647 : i32
      %xor3A_163 = vector.broadcast %xor3A : i32 to vector<16xi32>
      %xor3A_164 = arith.xori %bitcast_convert_type3A, %xor3A_163 : vector<16xi32>
      %select_n3A_165 = arith.select %lt3A_162, %xor3A_164, %bitcast_convert_type3A : vector<16xi1>, vector<16xi32>
      %shift_right_arithmetic3A_166 = arith.constant 24 : i32
      %shift_right_arithmetic3A_167 = vector.broadcast %shift_right_arithmetic3A_166 : i32 to vector<16xi32>
      %shift_right_arithmetic3A_168 = arith.shrsi %select_n3A_165, %shift_right_arithmetic3A_167 : vector<16xi32>
      %add3A_169 = arith.constant 128 : i32
      %add3A_170 = vector.broadcast %add3A_169 : i32 to vector<16xi32>
      %add3A_171 = arith.addi %shift_right_arithmetic3A_168, %add3A_170 : vector<16xi32>
      %mul3A_172 = arith.constant 16 : i32
      %mul3A_173 = vector.broadcast %mul3A_172 : i32 to vector<16xi32>
      %mul3A_174 = arith.muli %add3A_171, %mul3A_173 : vector<16xi32>
      %add3A_175 = arith.addi %mul3A_174, %iota3A : vector<16xi32>
      tpu.vector_store_idx %arg5[%add3A_175], %broadcast_in_dim3A_59 {add = true} : memref<4096xi32, #tpu.memory_space<vmem>>[vector<16xi32>], vector<16xi32>,
    }
    %scan3A_79 = arith.constant 4096 : i32
    %mul3A_80 = arith.constant 4096 : i32
    %mul3A_81 = arith.muli %arg1, %mul3A_80 : i32
    "tpu.region"() ({
      %run_scoped3A = tpu.sem_alloc : memref<!tpu.dma_semaphore, #tpu.memory_space<semaphore_mem>>
      %dma_start3A = tpu.memref_slice %arg9[%mul3A_81] : memref<65536xi32, #tpu.memory_space<vmem_shared>> -> memref<4096xi32, #tpu.memory_space<vmem_shared>>
      %dma_start3A_152 = tpu.memref_slice %arg9[%mul3A_81] : memref<65536xi32, #tpu.memory_space<vmem_shared>> -> memref<4096xi32, #tpu.memory_space<vmem_shared>>
      tpu.enqueue_dma source(%arg5 : memref<4096xi32, #tpu.memory_space<vmem>>) target(%dma_start3A_152 : memref<4096xi32, #tpu.memory_space<vmem_shared>>) target_semaphore(%run_scoped3A : memref<!tpu.dma_semaphore, #tpu.memory_space<semaphore_mem>>)
      %dma_wait3A = tpu.memref_slice %arg9[%mul3A_81] : memref<65536xi32, #tpu.memory_space<vmem_shared>> -> memref<4096xi32, #tpu.memory_space<vmem_shared>>
      %dma_wait3A_153 = tpu.memref_slice %arg9[%mul3A_81] : memref<65536xi32, #tpu.memory_space<vmem_shared>> -> memref<4096xi32, #tpu.memory_space<vmem_shared>>
      tpu.wait_dma2 semaphore(%run_scoped3A : memref<!tpu.dma_semaphore, #tpu.memory_space<semaphore_mem>>) src(%arg5 : memref<4096xi32, #tpu.memory_space<vmem>>) dst(%dma_wait3A_153 : memref<4096xi32, #tpu.memory_space<vmem_shared>>)
      tpu.yield
    }) : () -> ()
    %barrier3A = arith.constant 0 : index
    tpu.barrier barrier_id(%barrier3A)
    %mul3A_82 = arith.constant 4096 : i32
    %mul3A_83 = arith.muli %mul3A_58, %mul3A_82 : i32
    "tpu.region"() ({
      %run_scoped3A = tpu.sem_alloc : memref<!tpu.dma_semaphore, #tpu.memory_space<semaphore_mem>>
      %dma_start3A = tpu.memref_slice %arg9[%mul3A_83] : memref<65536xi32, #tpu.memory_space<vmem_shared>> -> memref<4096xi32, #tpu.memory_space<vmem_shared>>
      %dma_start3A_152 = tpu.memref_slice %arg9[%mul3A_83] : memref<65536xi32, #tpu.memory_space<vmem_shared>> -> memref<4096xi32, #tpu.memory_space<vmem_shared>>
      tpu.enqueue_dma source(%dma_start3A_152 : memref<4096xi32, #tpu.memory_space<vmem_shared>>) target(%arg6 : memref<4096xi32, #tpu.memory_space<vmem>>) target_semaphore(%run_scoped3A : memref<!tpu.dma_semaphore, #tpu.memory_space<semaphore_mem>>)
      %dma_wait3A = tpu.memref_slice %arg9[%mul3A_83] : memref<65536xi32, #tpu.memory_space<vmem_shared>> -> memref<4096xi32, #tpu.memory_space<vmem_shared>>
      %dma_wait3A_153 = tpu.memref_slice %arg9[%mul3A_83] : memref<65536xi32, #tpu.memory_space<vmem_shared>> -> memref<4096xi32, #tpu.memory_space<vmem_shared>>
      tpu.wait_dma2 semaphore(%run_scoped3A : memref<!tpu.dma_semaphore, #tpu.memory_space<semaphore_mem>>) src(%dma_wait3A_153 : memref<4096xi32, #tpu.memory_space<vmem_shared>>) dst(%arg6 : memref<4096xi32, #tpu.memory_space<vmem>>)
      tpu.yield
    }) : () -> ()
    %scan3A_84 = arith.constant 0 : i32
    %scan3A_85 = arith.constant 1 : i32
    %scan3A_86 = arith.constant 7 : i32
    %scan3A_87 = arith.addi %scan3A_85, %scan3A_86 : i32
    %scan3A_88 = arith.constant 1 : i32
    scf.for %scan3A_152 = %scan3A_85 to %scan3A_87 step %scan3A_88  : i32 {
      %add3A_153 = arith.addi %mul3A_58, %scan3A_152 : i32
      %mul3A_154 = arith.constant 4096 : i32
      %mul3A_155 = arith.muli %add3A_153, %mul3A_154 : i32
      "tpu.region"() ({
        %run_scoped3A = tpu.sem_alloc : memref<!tpu.dma_semaphore, #tpu.memory_space<semaphore_mem>>
        %dma_start3A = tpu.memref_slice %arg9[%mul3A_155] : memref<65536xi32, #tpu.memory_space<vmem_shared>> -> memref<4096xi32, #tpu.memory_space<vmem_shared>>
        %dma_start3A_162 = tpu.memref_slice %arg9[%mul3A_155] : memref<65536xi32, #tpu.memory_space<vmem_shared>> -> memref<4096xi32, #tpu.memory_space<vmem_shared>>
        tpu.enqueue_dma source(%dma_start3A_162 : memref<4096xi32, #tpu.memory_space<vmem_shared>>) target(%arg7 : memref<4096xi32, #tpu.memory_space<vmem>>) target_semaphore(%run_scoped3A : memref<!tpu.dma_semaphore, #tpu.memory_space<semaphore_mem>>)
        %dma_wait3A = tpu.memref_slice %arg9[%mul3A_155] : memref<65536xi32, #tpu.memory_space<vmem_shared>> -> memref<4096xi32, #tpu.memory_space<vmem_shared>>
        %dma_wait3A_163 = tpu.memref_slice %arg9[%mul3A_155] : memref<65536xi32, #tpu.memory_space<vmem_shared>> -> memref<4096xi32, #tpu.memory_space<vmem_shared>>
        tpu.wait_dma2 semaphore(%run_scoped3A : memref<!tpu.dma_semaphore, #tpu.memory_space<semaphore_mem>>) src(%dma_wait3A_163 : memref<4096xi32, #tpu.memory_space<vmem_shared>>) dst(%arg7 : memref<4096xi32, #tpu.memory_space<vmem>>)
        tpu.yield
      }) : () -> ()
      %scan3A_156 = arith.constant 0 : i32
      %scan3A_157 = arith.constant 0 : i32
      %scan3A_158 = arith.constant 256 : i32
      %scan3A_159 = arith.addi %scan3A_157, %scan3A_158 : i32
      %scan3A_160 = arith.constant 1 : i32
      scf.for %scan3A_162 = %scan3A_157 to %scan3A_159 step %scan3A_160  : i32 {
        %mul3A_163 = arith.constant 16 : i32
        %mul3A_164 = arith.muli %scan3A_162, %mul3A_163 : i32
        %get3A = arith.index_cast %mul3A_164 : i32 to index
        %get3A_165 = tpu.vector_load %arg6[%get3A] {strides = array<i32>} : memref<4096xi32, #tpu.memory_space<vmem>>, vector<16xi32>,
        %mul3A_166 = arith.constant 16 : i32
        %mul3A_167 = arith.muli %scan3A_162, %mul3A_166 : i32
        %get3A_168 = arith.index_cast %mul3A_167 : i32 to index
        %get3A_169 = tpu.vector_load %arg7[%get3A_168] {strides = array<i32>} : memref<4096xi32, #tpu.memory_space<vmem>>, vector<16xi32>,
        %add3A_170 = arith.addi %get3A_165, %get3A_169 : vector<16xi32>
        %mul3A_171 = arith.constant 16 : i32
        %mul3A_172 = arith.muli %scan3A_162, %mul3A_171 : i32
        %swap3A = arith.index_cast %mul3A_172 : i32 to index
        %swap3A_173 = tpu.vector_load %arg6[%swap3A] {strides = array<i32>} : memref<4096xi32, #tpu.memory_space<vmem>>, vector<16xi32>,
        tpu.vector_store %arg6[%swap3A], %add3A_170 {strides = array<i32>} : memref<4096xi32, #tpu.memory_space<vmem>>, vector<16xi32>,
      }
      %scan3A_161 = arith.constant 256 : i32
    }
    %scan3A_89 = arith.constant 7 : i32
    %barrier3A_90 = arith.constant 0 : index
    tpu.barrier barrier_id(%barrier3A_90)
    %scan3A_91 = arith.constant 0 : i32
    %scan3A_92 = arith.constant -1 : i32
    %scan3A_93 = arith.constant 0 : i32
    %scan3A_94 = arith.constant 0 : i32
    %scan3A_95 = arith.constant 256 : i32
    %scan3A_96 = arith.addi %scan3A_94, %scan3A_95 : i32
    %scan3A_97 = arith.constant 1 : i32
    %scan3A_98:3 = scf.for %scan3A_152 = %scan3A_94 to %scan3A_96 step %scan3A_97 iter_args(%scan3A_153 = %scan3A_91, %scan3A_154 = %scan3A_92, %scan3A_155 = %scan3A_93) -> (i32, i32, i32)  : i32 {
      %sub3A_156 = arith.constant 255 : i32
      %sub3A_157 = arith.subi %sub3A_156, %scan3A_152 : i32
      %mul3A_158 = arith.constant 16 : i32
      %mul3A_159 = arith.muli %sub3A_157, %mul3A_158 : i32
      %get3A = arith.index_cast %mul3A_159 : i32 to index
      %get3A_160 = tpu.vector_load %arg6[%get3A] {strides = array<i32>} : memref<4096xi32, #tpu.memory_space<vmem>>, vector<16xi32>,
      %reduce_sum3A = arith.constant true
      %reduce_sum3A_161 = vector.broadcast %reduce_sum3A : i1 to vector<16xi1>
      %reduce_sum3A_162 = tpu.scan <sum>, %get3A_160 masked %reduce_sum3A_161 : vector<16xi32>, vector<16xi1> -> vector<16xi32>
      %reduce_sum3A_163 = vector.extract %reduce_sum3A_162[15] : i32 from vector<16xi32>
      %add3A_164 = arith.addi %scan3A_153, %reduce_sum3A_163 : i32
      %ge3A = arith.constant 256 : i32
      %ge3A_165 = arith.cmpi sge, %add3A_164, %ge3A : i32
      %lt3A_166 = arith.constant 0 : i32
      %lt3A_167 = arith.cmpi slt, %scan3A_154, %lt3A_166 : i32
      %and3A_168 = arith.andi %ge3A_165, %lt3A_167 : i1
      %select_n3A_169 = arith.select %and3A_168, %sub3A_157, %scan3A_154 : i32
      %select_n3A_170 = arith.select %and3A_168, %scan3A_153, %scan3A_155 : i32
      scf.yield %add3A_164, %select_n3A_169, %select_n3A_170 : i32, i32, i32
    }
    %scan3A_99 = arith.constant 256 : i32
    %scan3A_100 = arith.constant 0 : i32
    %scan3A_101 = arith.constant 0 : i32
    %scan3A_102 = arith.constant 256 : i32
    %scan3A_103 = arith.addi %scan3A_101, %scan3A_102 : i32
    %scan3A_104 = arith.constant 1 : i32
    scf.for %scan3A_152 = %scan3A_101 to %scan3A_103 step %scan3A_104  : i32 {
      %mul3A_153 = arith.constant 16 : i32
      %mul3A_154 = arith.muli %scan3A_152, %mul3A_153 : i32
      %swap3A = arith.index_cast %mul3A_154 : i32 to index
      %swap3A_155 = tpu.vector_load %arg5[%swap3A] {strides = array<i32>} : memref<4096xi32, #tpu.memory_space<vmem>>, vector<16xi32>,
      tpu.vector_store %arg5[%swap3A], %broadcast_in_dim3A_61 {strides = array<i32>} : memref<4096xi32, #tpu.memory_space<vmem>>, vector<16xi32>,
    }
    %scan3A_105 = arith.constant 256 : i32
    %scan3A_106 = arith.constant 0 : i32
    %scan3A_107 = arith.constant 0 : i32
    %scan3A_108 = arith.constant 4096 : i32
    %scan3A_109 = arith.addi %scan3A_107, %scan3A_108 : i32
    %scan3A_110 = arith.constant 1 : i32
    scf.for %scan3A_152 = %scan3A_107 to %scan3A_109 step %scan3A_110  : i32 {
      %shift_right_arithmetic3A = arith.constant 7 : i32
      %shift_right_arithmetic3A_153 = arith.shrsi %scan3A_152, %shift_right_arithmetic3A : i32
      %and3A_154 = arith.constant 127 : i32
      %and3A_155 = arith.andi %scan3A_152, %and3A_154 : i32
      %mul3A_156 = arith.constant 16 : i32
      %mul3A_157 = arith.muli %and3A_155, %mul3A_156 : i32
      %get3A = arith.index_cast %shift_right_arithmetic3A_153 : i32 to index
      %get3A_158 = arith.index_cast %mul3A_157 : i32 to index
      %get3A_159 = tpu.vector_load %arg4[%get3A, %get3A_158] {strides = array<i32>} : memref<32x2048xf32, #tpu.memory_space<vmem>>, vector<16xf32>,
      %bitcast_convert_type3A = tpu.bitcast %get3A_159 : vector<16xf32> -> vector<16xi32>
      %lt3A_160 = arith.constant 0 : i32
      %lt3A_161 = vector.broadcast %lt3A_160 : i32 to vector<16xi32>
      %lt3A_162 = arith.cmpi slt, %bitcast_convert_type3A, %lt3A_161 : vector<16xi32>
      %xor3A = arith.constant 2147483647 : i32
      %xor3A_163 = vector.broadcast %xor3A : i32 to vector<16xi32>
      %xor3A_164 = arith.xori %bitcast_convert_type3A, %xor3A_163 : vector<16xi32>
      %select_n3A_165 = arith.select %lt3A_162, %xor3A_164, %bitcast_convert_type3A : vector<16xi1>, vector<16xi32>
      %shift_right_arithmetic3A_166 = arith.constant 24 : i32
      %shift_right_arithmetic3A_167 = vector.broadcast %shift_right_arithmetic3A_166 : i32 to vector<16xi32>
      %shift_right_arithmetic3A_168 = arith.shrsi %select_n3A_165, %shift_right_arithmetic3A_167 : vector<16xi32>
      %add3A_169 = arith.constant 128 : i32
      %add3A_170 = vector.broadcast %add3A_169 : i32 to vector<16xi32>
      %add3A_171 = arith.addi %shift_right_arithmetic3A_168, %add3A_170 : vector<16xi32>
      %eq3A_172 = vector.broadcast %scan3A_98#1 : i32 to vector<16xi32>
      %eq3A_173 = arith.cmpi eq, %add3A_171, %eq3A_172 : vector<16xi32>
      %shift_right_logical3A = arith.constant 16 : i32
      %shift_right_logical3A_174 = vector.broadcast %shift_right_logical3A : i32 to vector<16xi32>
      %shift_right_logical3A_175 = arith.shrui %select_n3A_165, %shift_right_logical3A_174 : vector<16xi32>
      %and3A_176 = arith.constant 255 : i32
      %and3A_177 = vector.broadcast %and3A_176 : i32 to vector<16xi32>
      %and3A_178 = arith.andi %shift_right_logical3A_175, %and3A_177 : vector<16xi32>
      %mul3A_179 = arith.constant 16 : i32
      %mul3A_180 = vector.broadcast %mul3A_179 : i32 to vector<16xi32>
      %mul3A_181 = arith.muli %and3A_178, %mul3A_180 : vector<16xi32>
      %add3A_182 = arith.addi %mul3A_181, %iota3A : vector<16xi32>
      tpu.vector_store_idx %arg5[%add3A_182], %broadcast_in_dim3A_59 masked %eq3A_173 {add = true} : memref<4096xi32, #tpu.memory_space<vmem>>[vector<16xi32>], vector<16xi32>, vector<16xi1>
    }
    %scan3A_111 = arith.constant 4096 : i32
    %mul3A_112 = arith.constant 4096 : i32
    %mul3A_113 = arith.muli %arg1, %mul3A_112 : i32
    "tpu.region"() ({
      %run_scoped3A = tpu.sem_alloc : memref<!tpu.dma_semaphore, #tpu.memory_space<semaphore_mem>>
      %dma_start3A = tpu.memref_slice %arg9[%mul3A_113] : memref<65536xi32, #tpu.memory_space<vmem_shared>> -> memref<4096xi32, #tpu.memory_space<vmem_shared>>
      %dma_start3A_152 = tpu.memref_slice %arg9[%mul3A_113] : memref<65536xi32, #tpu.memory_space<vmem_shared>> -> memref<4096xi32, #tpu.memory_space<vmem_shared>>
      tpu.enqueue_dma source(%arg5 : memref<4096xi32, #tpu.memory_space<vmem>>) target(%dma_start3A_152 : memref<4096xi32, #tpu.memory_space<vmem_shared>>) target_semaphore(%run_scoped3A : memref<!tpu.dma_semaphore, #tpu.memory_space<semaphore_mem>>)
      %dma_wait3A = tpu.memref_slice %arg9[%mul3A_113] : memref<65536xi32, #tpu.memory_space<vmem_shared>> -> memref<4096xi32, #tpu.memory_space<vmem_shared>>
      %dma_wait3A_153 = tpu.memref_slice %arg9[%mul3A_113] : memref<65536xi32, #tpu.memory_space<vmem_shared>> -> memref<4096xi32, #tpu.memory_space<vmem_shared>>
      tpu.wait_dma2 semaphore(%run_scoped3A : memref<!tpu.dma_semaphore, #tpu.memory_space<semaphore_mem>>) src(%arg5 : memref<4096xi32, #tpu.memory_space<vmem>>) dst(%dma_wait3A_153 : memref<4096xi32, #tpu.memory_space<vmem_shared>>)
      tpu.yield
    }) : () -> ()
    %barrier3A_114 = arith.constant 0 : index
    tpu.barrier barrier_id(%barrier3A_114)
    %mul3A_115 = arith.constant 4096 : i32
    %mul3A_116 = arith.muli %mul3A_58, %mul3A_115 : i32
    "tpu.region"() ({
      %run_scoped3A = tpu.sem_alloc : memref<!tpu.dma_semaphore, #tpu.memory_space<semaphore_mem>>
      %dma_start3A = tpu.memref_slice %arg9[%mul3A_116] : memref<65536xi32, #tpu.memory_space<vmem_shared>> -> memref<4096xi32, #tpu.memory_space<vmem_shared>>
      %dma_start3A_152 = tpu.memref_slice %arg9[%mul3A_116] : memref<65536xi32, #tpu.memory_space<vmem_shared>> -> memref<4096xi32, #tpu.memory_space<vmem_shared>>
      tpu.enqueue_dma source(%dma_start3A_152 : memref<4096xi32, #tpu.memory_space<vmem_shared>>) target(%arg6 : memref<4096xi32, #tpu.memory_space<vmem>>) target_semaphore(%run_scoped3A : memref<!tpu.dma_semaphore, #tpu.memory_space<semaphore_mem>>)
      %dma_wait3A = tpu.memref_slice %arg9[%mul3A_116] : memref<65536xi32, #tpu.memory_space<vmem_shared>> -> memref<4096xi32, #tpu.memory_space<vmem_shared>>
      %dma_wait3A_153 = tpu.memref_slice %arg9[%mul3A_116] : memref<65536xi32, #tpu.memory_space<vmem_shared>> -> memref<4096xi32, #tpu.memory_space<vmem_shared>>
      tpu.wait_dma2 semaphore(%run_scoped3A : memref<!tpu.dma_semaphore, #tpu.memory_space<semaphore_mem>>) src(%dma_wait3A_153 : memref<4096xi32, #tpu.memory_space<vmem_shared>>) dst(%arg6 : memref<4096xi32, #tpu.memory_space<vmem>>)
      tpu.yield
    }) : () -> ()
    %scan3A_117 = arith.constant 0 : i32
    %scan3A_118 = arith.constant 1 : i32
    %scan3A_119 = arith.constant 7 : i32
    %scan3A_120 = arith.addi %scan3A_118, %scan3A_119 : i32
    %scan3A_121 = arith.constant 1 : i32
    scf.for %scan3A_152 = %scan3A_118 to %scan3A_120 step %scan3A_121  : i32 {
      %add3A_153 = arith.addi %mul3A_58, %scan3A_152 : i32
      %mul3A_154 = arith.constant 4096 : i32
      %mul3A_155 = arith.muli %add3A_153, %mul3A_154 : i32
      "tpu.region"() ({
        %run_scoped3A = tpu.sem_alloc : memref<!tpu.dma_semaphore, #tpu.memory_space<semaphore_mem>>
        %dma_start3A = tpu.memref_slice %arg9[%mul3A_155] : memref<65536xi32, #tpu.memory_space<vmem_shared>> -> memref<4096xi32, #tpu.memory_space<vmem_shared>>
        %dma_start3A_162 = tpu.memref_slice %arg9[%mul3A_155] : memref<65536xi32, #tpu.memory_space<vmem_shared>> -> memref<4096xi32, #tpu.memory_space<vmem_shared>>
        tpu.enqueue_dma source(%dma_start3A_162 : memref<4096xi32, #tpu.memory_space<vmem_shared>>) target(%arg7 : memref<4096xi32, #tpu.memory_space<vmem>>) target_semaphore(%run_scoped3A : memref<!tpu.dma_semaphore, #tpu.memory_space<semaphore_mem>>)
        %dma_wait3A = tpu.memref_slice %arg9[%mul3A_155] : memref<65536xi32, #tpu.memory_space<vmem_shared>> -> memref<4096xi32, #tpu.memory_space<vmem_shared>>
        %dma_wait3A_163 = tpu.memref_slice %arg9[%mul3A_155] : memref<65536xi32, #tpu.memory_space<vmem_shared>> -> memref<4096xi32, #tpu.memory_space<vmem_shared>>
        tpu.wait_dma2 semaphore(%run_scoped3A : memref<!tpu.dma_semaphore, #tpu.memory_space<semaphore_mem>>) src(%dma_wait3A_163 : memref<4096xi32, #tpu.memory_space<vmem_shared>>) dst(%arg7 : memref<4096xi32, #tpu.memory_space<vmem>>)
        tpu.yield
      }) : () -> ()
      %scan3A_156 = arith.constant 0 : i32
      %scan3A_157 = arith.constant 0 : i32
      %scan3A_158 = arith.constant 256 : i32
      %scan3A_159 = arith.addi %scan3A_157, %scan3A_158 : i32
      %scan3A_160 = arith.constant 1 : i32
      scf.for %scan3A_162 = %scan3A_157 to %scan3A_159 step %scan3A_160  : i32 {
        %mul3A_163 = arith.constant 16 : i32
        %mul3A_164 = arith.muli %scan3A_162, %mul3A_163 : i32
        %get3A = arith.index_cast %mul3A_164 : i32 to index
        %get3A_165 = tpu.vector_load %arg6[%get3A] {strides = array<i32>} : memref<4096xi32, #tpu.memory_space<vmem>>, vector<16xi32>,
        %mul3A_166 = arith.constant 16 : i32
        %mul3A_167 = arith.muli %scan3A_162, %mul3A_166 : i32
        %get3A_168 = arith.index_cast %mul3A_167 : i32 to index
        %get3A_169 = tpu.vector_load %arg7[%get3A_168] {strides = array<i32>} : memref<4096xi32, #tpu.memory_space<vmem>>, vector<16xi32>,
        %add3A_170 = arith.addi %get3A_165, %get3A_169 : vector<16xi32>
        %mul3A_171 = arith.constant 16 : i32
        %mul3A_172 = arith.muli %scan3A_162, %mul3A_171 : i32
        %swap3A = arith.index_cast %mul3A_172 : i32 to index
        %swap3A_173 = tpu.vector_load %arg6[%swap3A] {strides = array<i32>} : memref<4096xi32, #tpu.memory_space<vmem>>, vector<16xi32>,
        tpu.vector_store %arg6[%swap3A], %add3A_170 {strides = array<i32>} : memref<4096xi32, #tpu.memory_space<vmem>>, vector<16xi32>,
      }
      %scan3A_161 = arith.constant 256 : i32
    }
    %scan3A_122 = arith.constant 7 : i32
    %scan3A_123 = arith.constant -1 : i32
    %scan3A_124 = arith.constant 0 : i32
    %scan3A_125 = arith.constant 0 : i32
    %scan3A_126 = arith.constant 256 : i32
    %scan3A_127 = arith.addi %scan3A_125, %scan3A_126 : i32
    %scan3A_128 = arith.constant 1 : i32
    %scan3A_129:3 = scf.for %scan3A_152 = %scan3A_125 to %scan3A_127 step %scan3A_128 iter_args(%scan3A_153 = %scan3A_98#2, %scan3A_154 = %scan3A_123, %scan3A_155 = %scan3A_124) -> (i32, i32, i32)  : i32 {
      %sub3A_156 = arith.constant 255 : i32
      %sub3A_157 = arith.subi %sub3A_156, %scan3A_152 : i32
      %mul3A_158 = arith.constant 16 : i32
      %mul3A_159 = arith.muli %sub3A_157, %mul3A_158 : i32
      %get3A = arith.index_cast %mul3A_159 : i32 to index
      %get3A_160 = tpu.vector_load %arg6[%get3A] {strides = array<i32>} : memref<4096xi32, #tpu.memory_space<vmem>>, vector<16xi32>,
      %reduce_sum3A = arith.constant true
      %reduce_sum3A_161 = vector.broadcast %reduce_sum3A : i1 to vector<16xi1>
      %reduce_sum3A_162 = tpu.scan <sum>, %get3A_160 masked %reduce_sum3A_161 : vector<16xi32>, vector<16xi1> -> vector<16xi32>
      %reduce_sum3A_163 = vector.extract %reduce_sum3A_162[15] : i32 from vector<16xi32>
      %add3A_164 = arith.addi %scan3A_153, %reduce_sum3A_163 : i32
      %ge3A = arith.constant 256 : i32
      %ge3A_165 = arith.cmpi sge, %add3A_164, %ge3A : i32
      %lt3A_166 = arith.constant 0 : i32
      %lt3A_167 = arith.cmpi slt, %scan3A_154, %lt3A_166 : i32
      %and3A_168 = arith.andi %ge3A_165, %lt3A_167 : i1
      %select_n3A_169 = arith.select %and3A_168, %sub3A_157, %scan3A_154 : i32
      %select_n3A_170 = arith.select %and3A_168, %scan3A_153, %scan3A_155 : i32
      scf.yield %add3A_164, %select_n3A_169, %select_n3A_170 : i32, i32, i32
    }
    %scan3A_130 = arith.constant 256 : i32
    %sub3A_131 = arith.constant 128 : i32
    %sub3A_132 = arith.subi %scan3A_98#1, %sub3A_131 : i32
    %shift_left3A = arith.constant 24 : i32
    %shift_left3A_133 = arith.shli %sub3A_132, %shift_left3A : i32
    %shift_left3A_134 = arith.constant 16 : i32
    %shift_left3A_135 = arith.shli %scan3A_129#1, %shift_left3A_134 : i32
    %add3A_136 = arith.addi %shift_left3A_133, %shift_left3A_135 : i32
    %scan3A_137 = arith.constant 0 : i32
    %scan3A_138 = arith.constant 0 : i32
    %scan3A_139 = arith.constant 32 : i32
    %scan3A_140 = arith.addi %scan3A_138, %scan3A_139 : i32
    %scan3A_141 = arith.constant 1 : i32
    scf.for %scan3A_152 = %scan3A_138 to %scan3A_140 step %scan3A_141  : i32 {
      %mul3A_153 = arith.constant 16 : i32
      %mul3A_154 = arith.muli %scan3A_152, %mul3A_153 : i32
      %swap3A = arith.index_cast %mul3A_154 : i32 to index
      %swap3A_155 = tpu.vector_load %arg8[%swap3A] {strides = array<i32>} : memref<512xi32, #tpu.memory_space<vmem>>, vector<16xi32>,
      tpu.vector_store %arg8[%swap3A], %broadcast_in_dim3A_63 {strides = array<i32>} : memref<512xi32, #tpu.memory_space<vmem>>, vector<16xi32>,
    }
    %scan3A_142 = arith.constant 32 : i32
    %scan3A_143 = arith.constant 0 : i32
    %scan3A_144 = arith.constant 0 : i32
    %scan3A_145 = arith.constant 4096 : i32
    %scan3A_146 = arith.addi %scan3A_144, %scan3A_145 : i32
    %scan3A_147 = arith.constant 1 : i32
    %scan3A_148 = scf.for %scan3A_152 = %scan3A_144 to %scan3A_146 step %scan3A_147 iter_args(%scan3A_153 = %scan3A_143) -> (i32)  : i32 {
      %shift_right_arithmetic3A = arith.constant 7 : i32
      %shift_right_arithmetic3A_154 = arith.shrsi %scan3A_152, %shift_right_arithmetic3A : i32
      %and3A_155 = arith.constant 127 : i32
      %and3A_156 = arith.andi %scan3A_152, %and3A_155 : i32
      %mul3A_157 = arith.constant 16 : i32
      %mul3A_158 = arith.muli %and3A_156, %mul3A_157 : i32
      %get3A = arith.index_cast %shift_right_arithmetic3A_154 : i32 to index
      %get3A_159 = arith.index_cast %mul3A_158 : i32 to index
      %get3A_160 = tpu.vector_load %arg4[%get3A, %get3A_159] {strides = array<i32>} : memref<32x2048xf32, #tpu.memory_space<vmem>>, vector<16xf32>,
      %bitcast_convert_type3A = tpu.bitcast %get3A_160 : vector<16xf32> -> vector<16xi32>
      %lt3A_161 = arith.constant 0 : i32
      %lt3A_162 = vector.broadcast %lt3A_161 : i32 to vector<16xi32>
      %lt3A_163 = arith.cmpi slt, %bitcast_convert_type3A, %lt3A_162 : vector<16xi32>
      %xor3A = arith.constant 2147483647 : i32
      %xor3A_164 = vector.broadcast %xor3A : i32 to vector<16xi32>
      %xor3A_165 = arith.xori %bitcast_convert_type3A, %xor3A_164 : vector<16xi32>
      %select_n3A_166 = arith.select %lt3A_163, %xor3A_165, %bitcast_convert_type3A : vector<16xi1>, vector<16xi32>
      %ge3A = vector.broadcast %add3A_136 : i32 to vector<16xi32>
      %ge3A_167 = arith.cmpi sge, %select_n3A_166, %ge3A : vector<16xi32>
      %convert_element_type3A = arith.extui %ge3A_167 : vector<16xi1> to vector<16xi32>
      %reduce_sum3A = arith.constant true
      %reduce_sum3A_168 = vector.broadcast %reduce_sum3A : i1 to vector<16xi1>
      %reduce_sum3A_169 = tpu.scan <sum>, %convert_element_type3A masked %reduce_sum3A_168 : vector<16xi32>, vector<16xi1> -> vector<16xi32>
      %reduce_sum3A_170 = vector.extract %reduce_sum3A_169[15] : i32 from vector<16xi32>
      %le3A = arith.constant 496 : i32
      %le3A_171 = arith.cmpi sle, %scan3A_153, %le3A : i32
      %gt3A = arith.constant 0 : i32
      %gt3A_172 = arith.cmpi sgt, %reduce_sum3A_170, %gt3A : i32
      %and3A_173 = arith.andi %le3A_171, %gt3A_172 : i1
      %convert_element_type3A_174 = arith.extui %and3A_173 : i1 to i32
      %cond3A = arith.constant 0 : i32
      %cond3A_175 = arith.cmpi ne, %convert_element_type3A_174, %cond3A : i32
      scf.if %cond3A_175 {
        %mul3A_179 = arith.constant 16 : i32
        %mul3A_180 = arith.muli %scan3A_152, %mul3A_179 : i32
        %add3A_181 = arith.addi %mul3A_32, %mul3A_180 : i32
        %add3A_182 = vector.broadcast %add3A_181 : i32 to vector<16xi32>
        %add3A_183 = arith.addi %add3A_182, %iota3A : vector<16xi32>
        %swap3A = arith.index_cast %scan3A_153 : i32 to index
        %swap3A_184 = tpu.vector_load %arg8[%swap3A] masked %ge3A_167 {strides = array<i32>} : memref<512xi32, #tpu.memory_space<vmem>>, vector<16xi32>, vector<16xi1>
        tpu.vector_store %arg8[%swap3A], %add3A_183 masked %ge3A_167 {strides = array<i32>} : memref<512xi32, #tpu.memory_space<vmem>>, vector<16xi32>, vector<16xi1>
      } else {
      }
      %jit3A_176 = arith.constant 0 : i32
      %select_n3A_177 = arith.select %le3A_171, %reduce_sum3A_170, %jit3A_176 : i32
      %add3A_178 = arith.addi %scan3A_153, %select_n3A_177 : i32
      scf.yield %add3A_178 : i32
    }
    %scan3A_149 = arith.constant 4096 : i32
    %mul3A_150 = arith.constant 512 : i32
    %mul3A_151 = arith.muli %add3A, %mul3A_150 : i32
    "tpu.region"() ({
      %run_scoped3A = tpu.sem_alloc : memref<!tpu.dma_semaphore, #tpu.memory_space<semaphore_mem>>
      %dma_start3A = tpu.memref_slice %arg3[%mul3A_151] : memref<16384xi32, #tpu.memory_space<hbm>> -> memref<512xi32, #tpu.memory_space<hbm>>
      %dma_start3A_152 = tpu.memref_slice %arg3[%mul3A_151] : memref<16384xi32, #tpu.memory_space<hbm>> -> memref<512xi32, #tpu.memory_space<hbm>>
      tpu.enqueue_dma source(%arg8 : memref<512xi32, #tpu.memory_space<vmem>>) target(%dma_start3A_152 : memref<512xi32, #tpu.memory_space<hbm>>) target_semaphore(%run_scoped3A : memref<!tpu.dma_semaphore, #tpu.memory_space<semaphore_mem>>)
      %dma_wait3A = tpu.memref_slice %arg3[%mul3A_151] : memref<16384xi32, #tpu.memory_space<hbm>> -> memref<512xi32, #tpu.memory_space<hbm>>
      %dma_wait3A_153 = tpu.memref_slice %arg3[%mul3A_151] : memref<16384xi32, #tpu.memory_space<hbm>> -> memref<512xi32, #tpu.memory_space<hbm>>
      tpu.wait_dma2 semaphore(%run_scoped3A : memref<!tpu.dma_semaphore, #tpu.memory_space<semaphore_mem>>) src(%arg8 : memref<512xi32, #tpu.memory_space<vmem>>) dst(%dma_wait3A_153 : memref<512xi32, #tpu.memory_space<hbm>>)
      tpu.yield
    }) : () -> ()
    return
  }
}

module attributes {stable_mosaic.version = 14 : i64} {
  func.func @_mm1_body(%arg0: i32, %arg1: i32, %arg2: i32, %arg3: memref<1x1024x512xf32, #tpu.memory_space<vmem>>, %arg4: memref<512x1024xf32, #tpu.memory_space<vmem>>, %arg5: memref<512x1xf32, #tpu.memory_space<vmem>>, %arg6: memref<1x512x512xf32, #tpu.memory_space<vmem>>, %arg7: memref<32x512xf32, #tpu.memory_space<vmem>>) attributes {dimension_semantics = [#tpu.dimension_semantics<arbitrary>, #tpu.dimension_semantics<arbitrary>, #tpu.dimension_semantics<arbitrary>], iteration_bounds = array<i64: 4, 8, 4>, scalar_prefetch = 0 : i64, scratch_operands = 0 : i64, tpu.core_type = #tpu.core_type<tc>, window_params = [{transform_indices = @transform_0, window_bounds = array<i64: 1, 1024, 512>}, {transform_indices = @transform_1, window_bounds = array<i64: 512, 1024>}, {transform_indices = @transform_2, window_bounds = array<i64: 512, 1>}, {transform_indices = @transform_3, window_bounds = array<i64: 1, 512, 512>}, {transform_indices = @transform_4, window_bounds = array<i64: 32, 512>}]} {
    %get3A = arith.constant 0 : index
    %get3A_0 = arith.constant 0 : index
    %get3A_1 = vector.load %arg4[%get3A, %get3A_0] : memref<512x1024xf32, #tpu.memory_space<vmem>>, vector<512x1024xf32>
    %get3A_2 = arith.constant 0 : index
    %get3A_3 = arith.constant 0 : index
    %get3A_4 = arith.constant 0 : index
    %get3A_5 = vector.load %arg3[%get3A_2, %get3A_3, %get3A_4] : memref<1x1024x512xf32, #tpu.memory_space<vmem>>, vector<1x1024x512xf32>
    %get3A_6 = vector.shape_cast %get3A_5 : vector<1x1024x512xf32> to vector<1024x512xf32>
    %dot_general3A = arith.constant dense<0.000000e+00> : vector<512x512xf32>
    %dot_general3A_7 = tpu.matmul %get3A_1, %get3A_6, %dot_general3A {dimension_numbers = #tpu.dot_dimension_numbers<[1], [0], [0], [1], [0, 0, 1, 1], [], []>, transpose_lhs_hint = false} : vector<512x1024xf32>, vector<1024x512xf32>, vector<512x512xf32> -> vector<512x512xf32>
    %get3A_8 = arith.constant 0 : index
    %get3A_9 = arith.constant 0 : index
    %get3A_10 = vector.load %arg5[%get3A_8, %get3A_9] : memref<512x1xf32, #tpu.memory_space<vmem>>, vector<512x1xf32>
    %add3A = vector.broadcast %get3A_10 : vector<512x1xf32> to vector<512x512xf32>
    %add3A_11 = arith.addf %dot_general3A_7, %add3A : vector<512x512xf32>
    %swap3A = arith.constant 0 : index
    %swap3A_12 = arith.constant 0 : index
    %swap3A_13 = arith.constant 0 : index
    %swap3A_14 = vector.load %arg6[%swap3A, %swap3A_12, %swap3A_13] : memref<1x512x512xf32, #tpu.memory_space<vmem>>, vector<1x512x512xf32>
    %swap3A_15 = vector.shape_cast %swap3A_14 : vector<1x512x512xf32> to vector<512x512xf32>
    %swap3A_16 = vector.shape_cast %add3A_11 : vector<512x512xf32> to vector<1x512x512xf32>
    tpu.vector_store %arg6[%swap3A, %swap3A_12, %swap3A_13], %swap3A_16 {strides = array<i32>} : memref<1x512x512xf32, #tpu.memory_space<vmem>>, vector<1x512x512xf32>,
    %reshape3A = vector.shape_cast %add3A_11 : vector<512x512xf32> to vector<32x16x512xf32>
    %reduce_max3A = arith.constant dense<0xFF800000> : vector<32x512xf32>
    %reduce_max3A_17 = vector.multi_reduction <maximumf>, %reshape3A, %reduce_max3A [1] : vector<32x16x512xf32> to vector<32x512xf32>
    %swap3A_18 = arith.constant 0 : index
    %swap3A_19 = arith.constant 0 : index
    %swap3A_20 = vector.load %arg7[%swap3A_18, %swap3A_19] : memref<32x512xf32, #tpu.memory_space<vmem>>, vector<32x512xf32>
    tpu.vector_store %arg7[%swap3A_18, %swap3A_19], %reduce_max3A_17 {strides = array<i32>} : memref<32x512xf32, #tpu.memory_space<vmem>>, vector<32x512xf32>,
    return
  }
  func.func @transform_0(%arg0: i32, %arg1: i32, %arg2: i32) -> (i32, i32, i32) {
    %c0_i32 = arith.constant 0 : i32
    %c0_i32_0 = arith.constant 0 : i32
    return %arg0, %c0_i32, %arg2 : i32, i32, i32
  }
  func.func @transform_1(%arg0: i32, %arg1: i32, %arg2: i32) -> (i32, i32) {
    %c0_i32 = arith.constant 0 : i32
    %c0_i32_0 = arith.constant 0 : i32
    return %arg1, %c0_i32 : i32, i32
  }
  func.func @transform_2(%arg0: i32, %arg1: i32, %arg2: i32) -> (i32, i32) {
    %c0_i32 = arith.constant 0 : i32
    %c0_i32_0 = arith.constant 0 : i32
    return %arg1, %c0_i32 : i32, i32
  }
  func.func @transform_3(%arg0: i32, %arg1: i32, %arg2: i32) -> (i32, i32, i32) {
    %c0_i32 = arith.constant 0 : i32
    return %arg0, %arg1, %arg2 : i32, i32, i32
  }
  func.func @transform_4(%arg0: i32, %arg1: i32, %arg2: i32) -> (i32, i32) {
    %mul3A = arith.constant 8 : i32
    %mul3A_0 = arith.muli %arg0, %mul3A : i32
    %add3A = arith.addi %mul3A_0, %arg1 : i32
    %c0_i32 = arith.constant 0 : i32
    return %add3A, %arg2 : i32, i32
  }
}

module attributes {stable_mosaic.version = 14 : i64} {
  func.func @_mm2_body(%arg0: i32, %arg1: memref<1024x4096xf32, #tpu.memory_space<vmem>>, %arg2: memref<1x256x1xi32, #tpu.memory_space<vmem>>, %arg3: memref<1x256x1xf32, #tpu.memory_space<vmem>>, %arg4: memref<1x256x1xi32, #tpu.memory_space<vmem>>, %arg5: memref<1024x1xf32, #tpu.memory_space<vmem>>, %arg6: memref<1x1024x2048xf32, #tpu.memory_space<vmem>>) attributes {dimension_semantics = [#tpu.dimension_semantics<arbitrary>], iteration_bounds = array<i64: 4>, scalar_prefetch = 0 : i64, scratch_operands = 0 : i64, tpu.core_type = #tpu.core_type<tc>, window_params = [{pipeline_mode = #tpu.pipeline_mode<synchronous>, transform_indices = @transform_0, window_bounds = array<i64: 1024, 4096>}, {transform_indices = @transform_1, window_bounds = array<i64: 1, 256, 1>}, {transform_indices = @transform_2, window_bounds = array<i64: 1, 256, 1>}, {transform_indices = @transform_3, window_bounds = array<i64: 1, 256, 1>}, {pipeline_mode = #tpu.pipeline_mode<synchronous>, transform_indices = @transform_4, window_bounds = array<i64: 1024, 1>}, {transform_indices = @transform_5, window_bounds = array<i64: 1, 1024, 2048>}]} {
    %get3A = arith.constant 0 : index
    %get3A_0 = arith.constant 0 : index
    %get3A_1 = arith.constant 0 : index
    %get3A_2 = vector.load %arg2[%get3A, %get3A_0, %get3A_1] : memref<1x256x1xi32, #tpu.memory_space<vmem>>, vector<1x256x1xi32>
    %get3A_3 = vector.shape_cast %get3A_2 : vector<1x256x1xi32> to vector<256x1xi32>
    %get3A_4 = arith.constant 0 : index
    %get3A_5 = arith.constant 0 : index
    %get3A_6 = arith.constant 0 : index
    %get3A_7 = vector.load %arg3[%get3A_4, %get3A_5, %get3A_6] : memref<1x256x1xf32, #tpu.memory_space<vmem>>, vector<1x256x1xf32>
    %get3A_8 = vector.shape_cast %get3A_7 : vector<1x256x1xf32> to vector<256x1xf32>
    %get3A_9 = arith.constant 0 : index
    %get3A_10 = arith.constant 0 : index
    %get3A_11 = arith.constant 0 : index
    %get3A_12 = vector.load %arg4[%get3A_9, %get3A_10, %get3A_11] : memref<1x256x1xi32, #tpu.memory_space<vmem>>, vector<1x256x1xi32>
    %get3A_13 = vector.shape_cast %get3A_12 : vector<1x256x1xi32> to vector<256x1xi32>
    %iota3A = tpu.iota {dimensions = array<i32: 1>} : vector<256x4096xi32>
    %eq3A = vector.broadcast %get3A_3 : vector<256x1xi32> to vector<256x4096xi32>
    %eq3A_14 = arith.cmpi eq, %eq3A, %iota3A : vector<256x4096xi32>
    %jit3A = arith.constant 1.000000e+00 : f32
    %jit3A_15 = arith.constant 0.000000e+00 : f32
    %broadcast_in_dim3A = vector.broadcast %jit3A : f32 to vector<256x4096xf32>
    %broadcast_in_dim3A_16 = vector.broadcast %jit3A_15 : f32 to vector<256x4096xf32>
    %select_n3A = arith.select %eq3A_14, %broadcast_in_dim3A, %broadcast_in_dim3A_16 : vector<256x4096xi1>, vector<256x4096xf32>
    %get3A_17 = arith.constant 0 : index
    %get3A_18 = arith.constant 0 : index
    %get3A_19 = vector.load %arg1[%get3A_17, %get3A_18] : memref<1024x4096xf32, #tpu.memory_space<vmem>>, vector<1024x4096xf32>
    %dot_general3A = arith.constant dense<0.000000e+00> : vector<256x1024xf32>
    %dot_general3A_20 = tpu.matmul %select_n3A, %get3A_19, %dot_general3A {dimension_numbers = #tpu.dot_dimension_numbers<[1], [1], [0], [0], [0, 0, 1, 0], [], []>, transpose_lhs_hint = false} : vector<256x4096xf32>, vector<1024x4096xf32>, vector<256x1024xf32> -> vector<256x1024xf32>
    %iota3A_21 = tpu.iota {dimensions = array<i32: 1>} : vector<256x2048xi32>
    %eq3A_22 = vector.broadcast %get3A_13 : vector<256x1xi32> to vector<256x2048xi32>
    %eq3A_23 = arith.cmpi eq, %eq3A_22, %iota3A_21 : vector<256x2048xi32>
    %jit3A_24 = arith.constant 0.000000e+00 : f32
    %broadcast_in_dim3A_25 = vector.shape_cast %get3A_8 : vector<256x1xf32> to vector<256x1xf32>
    %broadcast_in_dim3A_26 = vector.broadcast %broadcast_in_dim3A_25 : vector<256x1xf32> to vector<256x2048xf32>
    %broadcast_in_dim3A_27 = vector.broadcast %jit3A_24 : f32 to vector<256x2048xf32>
    %select_n3A_28 = arith.select %eq3A_23, %broadcast_in_dim3A_26, %broadcast_in_dim3A_27 : vector<256x2048xi1>, vector<256x2048xf32>
    %dot_general3A_29 = arith.constant dense<0.000000e+00> : vector<1024x2048xf32>
    %dot_general3A_30 = tpu.matmul %dot_general3A_20, %select_n3A_28, %dot_general3A_29 {dimension_numbers = #tpu.dot_dimension_numbers<[0], [0], [1], [1], [0, 1, 1, 1], [], []>, transpose_lhs_hint = false} : vector<256x1024xf32>, vector<256x2048xf32>, vector<1024x2048xf32> -> vector<1024x2048xf32>
    %get3A_31 = arith.constant 0 : index
    %get3A_32 = arith.constant 0 : index
    %get3A_33 = vector.load %arg5[%get3A_31, %get3A_32] : memref<1024x1xf32, #tpu.memory_space<vmem>>, vector<1024x1xf32>
    %add3A = vector.broadcast %get3A_33 : vector<1024x1xf32> to vector<1024x2048xf32>
    %add3A_34 = arith.addf %dot_general3A_30, %add3A : vector<1024x2048xf32>
    %swap3A = arith.constant 0 : index
    %swap3A_35 = arith.constant 0 : index
    %swap3A_36 = arith.constant 0 : index
    %swap3A_37 = vector.load %arg6[%swap3A, %swap3A_35, %swap3A_36] : memref<1x1024x2048xf32, #tpu.memory_space<vmem>>, vector<1x1024x2048xf32>
    %swap3A_38 = vector.shape_cast %swap3A_37 : vector<1x1024x2048xf32> to vector<1024x2048xf32>
    %swap3A_39 = vector.shape_cast %add3A_34 : vector<1024x2048xf32> to vector<1x1024x2048xf32>
    tpu.vector_store %arg6[%swap3A, %swap3A_35, %swap3A_36], %swap3A_39 {strides = array<i32>} : memref<1x1024x2048xf32, #tpu.memory_space<vmem>>, vector<1x1024x2048xf32>,
    return
  }
  func.func @transform_0(%arg0: i32) -> (i32, i32) {
    %c0_i32 = arith.constant 0 : i32
    %c0_i32_0 = arith.constant 0 : i32
    %c0_i32_1 = arith.constant 0 : i32
    return %c0_i32, %c0_i32_0 : i32, i32
  }
  func.func @transform_1(%arg0: i32) -> (i32, i32, i32) {
    %c0_i32 = arith.constant 0 : i32
    %c0_i32_0 = arith.constant 0 : i32
    %c0_i32_1 = arith.constant 0 : i32
    return %arg0, %c0_i32, %c0_i32_0 : i32, i32, i32
  }
  func.func @transform_2(%arg0: i32) -> (i32, i32, i32) {
    %c0_i32 = arith.constant 0 : i32
    %c0_i32_0 = arith.constant 0 : i32
    %c0_i32_1 = arith.constant 0 : i32
    return %arg0, %c0_i32, %c0_i32_0 : i32, i32, i32
  }
  func.func @transform_3(%arg0: i32) -> (i32, i32, i32) {
    %c0_i32 = arith.constant 0 : i32
    %c0_i32_0 = arith.constant 0 : i32
    %c0_i32_1 = arith.constant 0 : i32
    return %arg0, %c0_i32, %c0_i32_0 : i32, i32, i32
  }
  func.func @transform_4(%arg0: i32) -> (i32, i32) {
    %c0_i32 = arith.constant 0 : i32
    %c0_i32_0 = arith.constant 0 : i32
    %c0_i32_1 = arith.constant 0 : i32
    return %c0_i32, %c0_i32_0 : i32, i32
  }
  func.func @transform_5(%arg0: i32) -> (i32, i32, i32) {
    %c0_i32 = arith.constant 0 : i32
    %c0_i32_0 = arith.constant 0 : i32
    %c0_i32_1 = arith.constant 0 : i32
    return %arg0, %c0_i32, %c0_i32_0 : i32, i32, i32
  }
}

</mosaic_0001>

<sc_bundles>
// kernel: gather_offload_async_start
scs
__scs_entry_jumppad:
0x0: {  	(pc) =	sbr.rel $0x88, $3  }
0x1: {  	(tag) =	ssettag $0x0;
	lr =	simm.s32 $0x1  }
0x2: {  	[smem:$0x3F9C] =	sst lr;
	_ =	strace $0xD0000000  }
0x3: {  	_ = 	snop  }
0x4: {  	_ = 	snop  }
0x5: {  	_ = 	snop  }
0x6: {  	_ = 	snop  }
0x7: {  	_ = 	snop  }
__scs_overlays_trampoline_lowered:
0x8: {  	[smem:$0x3FAB] =	sst s0  }
0x9: {  	[smem:$0x3FAC] =	sst s1  }
0xa: {  	[smem:$0x3FAD] =	sst s2  }
0xb: {  	[smem:$0x3FAE] =	sst s3  }
0xc: {  	[smem:$0x3FAF] =	sst s4  }
0xd: {  	[smem:$0x3FB0] =	sst s5  }
0xe: {  	[smem:$0x3FB1] =	sst s6  }
0xf: {  	[smem:$0x3FB2] =	sst s7  }
0x10: {  	[smem:$0x3FB3] =	sst s8  }
0x11: {  	[smem:$0x3FB4] =	sst s9;
	s0 =	simm.s32 @!p0 $0x0  }
0x12: {  	s1 =	sld [smem:$0x3F9A];
	s0 =	simm.s32 @p0 $0x1  }
0x13: {  	[smem:$0x3FB5] =	sst s0;
	s0 =	simm.s32 @!p1 $0x0  }
0x14: {  	s2 =	sld [smem:$0x3F99];
	s0 =	simm.s32 @p1 $0x1  }
0x15: {  	[smem:$0x3FB6] =	sst s0;
	s0 =	simm.s32 @!p2 $0x0  }
0x16: {  	s3 =	sld [smem:$0x3FDB];
	s0 =	simm.s32 @p2 $0x1  }
0x17: {  	s4 =	simm.s32 $0x1BF5;
	[smem:$0x3FB8] =	sst s0  }
0x18: {  	s0 =	sld [smem:$0x3F9B];
	_ =	swait.ge [sflag:s4], $0x0  }
0x19: {  	s7 =	sld [smem:$0x3F9C]  }
0x1a: {  	s8 =	sadd.s32 $0xFFFFE003, lr  }
0x1b: {  	s9 =	sadd.s32 $0xFFFFFEF7, lr;
	s5 =	simm.s32 $0xFFFFFFFF;
	p2 =	slt.u32 s8, $0xFFFFF086  }
0x1c: {  	p1 =	slt.u32 s9, $0xF7A;
	s5 =	simm.s32 @!p2 $0x0  }
0x1d: {  	s5 =	simm.s32 @p1 $0x1;
	p0 =	seq.s32 s7, s2  }
0x1e: {  	s7 =	smul.u32 @!p0 $0xF7A, s2;
	p2 =	seq.s32 @!p0 s5, $0x0  }
0x1f: {  	s9 =	smul.u32 $0xF7A, s1;
	s8 =	simm.s32 @!p0 $0x1BF5;
	p2 =	por !p2, p0  }
0x20: {  	[sflag:s8] =	ssyncset.s32 @!p0 $0xFFFFF086;
	s6 =	sadd.s32 @!p0 s3, s7;
	s7 =	simm.s32 @!p0 $0x108  }
0x21: {  	s3 =	sadd.s32 s3, s9;
	s6 =	sadd.s32 @!p0 $0x88, s6;
	s7 =	simm.s32 @p2 $0x1082  }
0x22: {  	[simem:s7], [sflag:s8] =	dma.local @!p0 [hbm:s6], $0xF7A  }
0x23: {  	s9 =	sor.u32 $0xD0000000, s2;
	s6 =	simm.s32 $0x108;
	_ =	swait.ge @!p0 [sflag:s8], $0x0  }
0x24: {  	s3 =	sadd.s32 $0x88, s3;
	s6 =	simm.s32 @!p1 $0x1082;
	[sflag:s4] =	ssyncset.s32 $0xFFFFF086  }
0x25: {  	[simem:s6], [sflag:s4] =	dma.local [hbm:s3], $0xF7A  }
0x26: {  	[smem:$0x3F9C] =	sst s1;
	(tag) =	ssettag s2;
	_ =	strace s9  }
0x27: {  	s1 =	sld [smem:$0x3FAC]  }
0x28: {  	s2 =	sld [smem:$0x3FAD]  }
0x29: {  	s4 =	sld [smem:$0x3FAF]  }
0x2a: {  	p0 =	seq.s32 s5, $0x0;
	s5 =	sld [smem:$0x3FB0]  }
0x2b: {  	s6 =	sld [smem:$0x3FB1]  }
0x2c: {  	s7 =	sld [smem:$0x3FB2]  }
0x2d: {  	s3 =	simm.s32 $0x108;
	s8 =	sld [smem:$0x3FB3]  }
0x2e: {  	s3 =	simm.s32 @!p0 $0x1082;
	s9 =	sld [smem:$0x3FB4]  }
0x2f: {  	lr =	sadd.s32 s0, s3;
	s0 =	sld [smem:$0x3FAB]  }
0x30: {  	s3 =	sld [smem:$0x3FAE]  }
0x31: {  	[smem:$0x3FB7] =	sst s10  }
0x32: {  	s10 =	sld [smem:$0x3FB5];
	_ =	sdelay $0x3  }
0x33: {  	p0 =	seq.s32 s10, $0x1;
	s10 =	sld [smem:$0x3FB7];
	_ =	sdelay $0x3  }
0x34: {  	[smem:$0x3FB7] =	sst s10  }
0x35: {  	s10 =	sld [smem:$0x3FB6];
	_ =	sdelay $0x3  }
0x36: {  	p1 =	seq.s32 s10, $0x1;
	s10 =	sld [smem:$0x3FB7];
	_ =	sdelay $0x3  }
0x37: {  	[smem:$0x3FB7] =	sst s10  }
0x38: {  	s10 =	sld [smem:$0x3FB8]  }
0x39: {  	_ = 	snop;
	(pc) =	sbr.ind lr, $3  }
0x3a: {  	_ = 	snop  }
0x3b: {  	_ = 	snop  }
0x3c: {  	p2 =	seq.s32 s10, $0x1;
	s10 =	sld [smem:$0x3FB7]  }
0x3d: {  	_ =	shalt  }
0x3e: {  	_ =	shalt  }
0x3f: {  	_ =	shalt  }
0x40: {  	_ =	shalt  }
0x41: {  	_ =	shalt  }
0x42: {  	_ =	shalt  }
0x43: {  	_ =	shalt  }
0x44: {  	_ =	shalt  }
0x45: {  	_ =	shalt  }
0x46: {  	_ =	shalt  }
0x47: {  	_ =	shalt  }
0x48: {  	_ =	shalt  }
0x49: {  	_ =	shalt  }
0x4a: {  	_ =	shalt  }
0x4b: {  	_ =	shalt  }
0x4c: {  	_ =	shalt  }
0x4d: {  	_ =	shalt  }
0x4e: {  	_ =	shalt  }
0x4f: {  	_ =	shalt  }
0x50: {  	_ =	shalt  }
0x51: {  	_ =	shalt  }
0x52: {  	_ =	shalt  }
0x53: {  	_ =	shalt  }
0x54: {  	_ =	shalt  }
0x55: {  	_ =	shalt  }
0x56: {  	_ =	shalt  }
0x57: {  	_ =	shalt  }
0x58: {  	_ =	shalt  }
0x59: {  	_ =	shalt  }
0x5a: {  	_ =	shalt  }
0x5b: {  	_ =	shalt  }
0x5c: {  	_ =	shalt  }
0x5d: {  	_ =	shalt  }
0x5e: {  	_ =	shalt  }
0x5f: {  	_ =	shalt  }
0x60: {  	_ =	shalt  }
0x61: {  	_ =	shalt  }
0x62: {  	_ =	shalt  }
0x63: {  	_ =	shalt  }
0x64: {  	_ =	shalt  }
0x65: {  	_ =	shalt  }
0x66: {  	_ =	shalt  }
0x67: {  	_ =	shalt  }
0x68: {  	_ =	shalt  }
0x69: {  	_ =	shalt  }
0x6a: {  	_ =	shalt  }
0x6b: {  	_ =	shalt  }
0x6c: {  	_ =	shalt  }
0x6d: {  	_ =	shalt  }
0x6e: {  	_ =	shalt  }
0x6f: {  	_ =	shalt  }
0x70: {  	_ =	shalt  }
0x71: {  	_ =	shalt  }
0x72: {  	_ =	shalt  }
0x73: {  	_ =	shalt  }
0x74: {  	_ =	shalt  }
0x75: {  	_ =	shalt  }
0x76: {  	_ =	shalt  }
0x77: {  	_ =	shalt  }
0x78: {  	_ =	shalt  }
0x79: {  	_ =	shalt  }
0x7a: {  	_ =	shalt  }
0x7b: {  	_ =	shalt  }
0x7c: {  	_ =	shalt  }
0x7d: {  	_ =	shalt  }
0x7e: {  	_ =	shalt  }
0x7f: {  	_ =	shalt  }
0x80: {  	_ =	shalt  }
0x81: {  	_ =	shalt  }
0x82: {  	_ =	shalt  }
0x83: {  	_ =	shalt  }
0x84: {  	_ =	shalt  }
0x85: {  	_ =	shalt  }
0x86: {  	_ =	shalt  }
0x87: {  	_ =	shalt  }
.Lfunc_end0:
.L_simem_size_0:
called_computation.1_lowered:
.L_overlay_start_0:
0x88: {  	s2 =	sld [smem:$0x3FD9]  }
0x89: {  	s3 =	sld [smem:$0x3FFE];
	_ =	sdelay $0x1  }
0x8a: {  	s1 =	srdreg.scid  }
0x8b: {  	s0 =	sand.u32 $0x1, s1  }
0x8c: {  	s17 =	sshll.u32 s0, $0xA;
	s2 =	sadd.s32 s3, s2  }
0x8d: {  	s2 =	sadd.s32 s2, s17  }
0x8e: {  	[smem:$0x3FC3] =	sst s2  }
0x8f: {  	_ = 	snop  }
0x90: {  	s2 =	sld [smem:$0x3FD0];
	(tm) =	ssettm $0x1  }
0x91: {  	s18 =	sld [smem:$0x3FFB];
	_ =	sdelay $0x3  }
0x92: {  	_ =	strace s18  }
0x93: {  	s3 =	sld [smem:$0x3FFC];
	_ =	sdelay $0x3  }
0x94: {  	_ =	strace s3  }
0x95: {  	s3 =	sld [smem:$0x3FFD];
	_ =	sdelay $0x3  }
0x96: {  	_ =	strace s3  }
0x97: {  	_ =	strace $0x8FFFFFFF  }
0x98: {  	s19 =	sld [smem:$0x3FDB];
	_ =	sdelay $0x1  }
0x99: {  	s4 =	simm.s32 $_scs_section_size  }
0x9a: {  	s5 =	simm.s32 $_size__tile_overlayer_lowered;
	s6 =	simm.s32 $_tile_overlayer_lowered  }
0x9b: {  	s22 =	simm.s32 $0x1BFF;
	s21 =	sshll.u32 s6, $0x1;
	s3 =	sadd.s32 s4, s19  }
0x9c: {  	s7 =	simm.s32 $0x0;
	s20 =	sshll.u32 s5, $0x1;
	s5 =	sadd.s32 s21, s3  }
0x9d: {  	[timem:s7], [sflag:s22] =	dma.local [hbm:s5], s20  }
0x9e: {  	_ =	swait.ge [sflag:s22], s20  }
0x9f: {  	s4 =	ssub.s32 $0x0, s20;
	[sflag:s22] =	ssyncset.done $0x0  }
0xa0: {  	[sflag:s22] =	ssyncadd.s32 s4;
	_ =	sdelay $0x1  }
0xa1: {  	s23 =	simm.s32 $0x1B8B  }
0xa2: {  	_ =	swait.ge [sflag:s23], $0x1  }
0xa3: {  	[sflag:s23] =	ssyncset.done $0x0  }
0xa4: {  	s25 =	simm.s32 $0x1B8E;
	s24 =	sld [smem:$0x3FFE];
	[sflag:s23] =	ssyncadd.s32 $0xFFFFFFFF  }
0xa5: {  	s26 =	simm.s32 $execute0_lowered;
	[smem:$0x3FD2] =	sst s25  }
0xa6: {  	s5 =	sshll.u32 s26, $0x1;
	_ =	strace $0x8000004C;
	[dreg:$0x1] =	wrdreg $0xFFFFFFFF  }
0xa7: {  	s28 =	simm.s32 $_size_execute0_lowered;
	s3 =	sadd.s32 s3, s5;
	[dreg:$0x0] =	wrdreg $0x0  }
0xa8: {  	s5 =	sshll.u32 s28, $0x1;
	[dreg:$0x2] =	wrdreg s3  }
0xa9: {  	[dreg:$0x3] =	wrdreg s5  }
0xaa: {  	[dreg:$0x4] =	wrdreg $0xC0  }
0xab: {  	_ =	task [dreg:s7], $0x5FFFF  }
0xac: {  	[dreg:$0x1] =	wrdreg $0xFFFFFFFF  }
0xad: {  	[dreg:$0x0] =	wrdreg $0x60  }
0xae: {  	[dreg:$0x2] =	wrdreg s24  }
0xaf: {  	[dreg:$0x3] =	wrdreg s2  }
0xb0: {  	[dreg:$0x4] =	wrdreg $0x9  }
0xb1: {  	_ =	task.clear_ibuf [dreg:s7], $0x5FFFF;
	_ =	strace $0x9000004C  }
0xb2: {  	s29 =	simm.s32 $0x9;
	_ =	strace $0x8000004E  }
0xb3: {  	_ =	swait.ge [sflag:s29], $0x1  }
0xb4: {  	[sflag:s29] =	ssyncadd.s32 $0xFFFFFFFF  }
0xb5: {  	_ =	strace $0x9000004E  }
0xb6: {  	_ =	sfence  }
0xb7: {  	s30 =	sld [smem:$0x0];
	_ =	sdelay $0x2  }
0xb8: {  	s31 =	sshll.u32 s1, $0xD;
	s1 =	sshrl.u32 s1, $0x2  }
0xb9: {  	s3 =	sand.u32 $0x4000, s31;
	s1 =	sadd.s32 s1, s30  }
0xba: {  	s0 =	sor.u32 s3, s0;
	s1 =	sshll.u32 s1, $0x11  }
0xbb: {  	s0 =	sor.u32 s1, s0  }
0xbc: {  	s0 =	sadd.s32 $0x8F2B, s0  }
0xbd: {  	[sflag:s0] =	ssyncadd.remote.s32 $0x1  }
0xbe: {  	_ =	sfence.sel $0xFFFF  }
0xbf: {  	[dreg:$0x0] =	wrdreg $0xFFFFFFFF;
	(pc) =	sbr.abs _section_cstart, $3  }
0xc0: {  	[dreg:$0x1] =	wrdreg $0xFFFFFFFF  }
0xc1: {  	_ =	task.clear_ibuf [dreg:s7], $0x2FFFF;
	_ =	strace $0x9FFFFFFF  }
0xc2: {  	(tm) =	ssettm $0x7FFFFFFF  }
0xc3: {  	_ =	shalt  }
tec
execute0_lowered:
.L_overlay_start_1:
0x0: {  	(tag) =	ssettag $0x1  }
0x1: {  	s1 =	srdreg.scid;
	s2 =	rddreg [dreg:$0x0]  }
0x2: {  	s0 =	stileid.u32;
	s3 =	rddreg [dreg:$0x1]  }
0x3: {  	s6 =	simm.s32 $0x1;
	s9 =	simm.s32 $0x1;
	s1 =	sshll.u32 s1, $0x9  }
0x4: {  	s10 =	simm.s32 $0x3;
	s4 =	sshll.u32 s0, $0xA;
	s5 =	sand.u32 $0x200, s1  }
0x5: {  	s13 =	simm.s32 $0x0;
	s12 =	simm.s32 $0x0;
	s4 =	sor.u32 s4, s5  }
0x6: {  	s1 =	rddreg [dreg:$0x2];
	_ =	strace $0x8000004D;
	s8 =	ssub.s32 $0x8000, s4  }
.Ltmp0:
0x7: {  	s5 =	sadd.s32 $0x400800, s2;
	s7 =	sand.u32 $0x3E00, s8;
	(pc) =	sbr.rel .LBB2_1-.Ltmp0, $4  }
0x8: {  	[sflag:s6] =	ssyncpa.u1 $0x0;
	s11 =	smov.u32 s4;
	p0 =	sne.s32 s7, $0x0  }
0x9: {  	s8 =	sshrl.u32 s8, $0xE;
	s7 =	simm.s32 $0x2;
	s9 =	simm.s32 @!p0 $0x0  }
0xa: {  	[sflag:s7] =	ssyncpa.u1 $0x0;
	p0 =	por $0x0, $0x0;
	s8 =	sadd.s32 s9, s8  }
0xb: {  	vm0 =	vmmov $0xffff;
	[sflag:s10] =	ssyncpa.u1 $0x0;
	s10 =	simm.s32 $0x0;
	s9 =	sadd.s32 $0x1, s8  }
.LBB2_4:
0xc: {  	v5 =	vld.msk [tilespmem:s18+$0x0 ss:$0x1], $0xffff  }
0xd: {  	v6 =	vand.u32 $0x3, v1;
	v7 =	vshrl.u32 v1, $0x2  }
0xe: {  	v3 =	vor.u32 v4, v3;
	vm1 =	veq.s32 v1, $0x80000000;
	v53 =	vand.u32 $0x7FFFFF, v7  }
0xf: {  	v2 =	vor.u32 v2, v3;
	v54 =	vsel vm1, $0xFFFFFFFF, v6;
	v1 =	vsel vm1, $0xFFFFFFFF, v53  }
0x10: {  	v6 =	vshll.u32 v54, $0x7;
	v3 =	vand.u32 $0xFE000000, v54;
	v55 =	vand.u32 $0x7F, v1  }
0x11: {  	v1 =	vshll.u32 v1, $0x2;
	v6 =	vand.u32 $0x180, v6;
	v56 =	vshrl.u32 v5, $0x2  }
0x12: {  	v1 =	vand.u32 $0xFFFFFE00, v1;
	vm1 =	veq.s32 v5, $0x80000000;
	v57 =	vand.u32 $0x7FFFFF, v56  }
0x13: {  	v1 =	vadd.s32 v3, v1;
	v5 =	vand.u32 $0x3, v5;
	v3 =	vsel vm1, $0xFFFFFFFF, v57  }
0x14: {  	v1 =	vor.u32 v6, v1;
	v5 =	vsel vm1, $0xFFFFFFFF, v5;
	v58 =	vshll.u32 v3, $0x2  }
0x15: {  	v59 =	vshll.u32 v5, $0x7;
	v5 =	vand.u32 $0xFE000000, v5;
	v6 =	vand.u32 $0xFFFFFE00, v58  }
0x16: {  	v1 =	vor.u32 v55, v1;
	v61 =	vand.u32 $0x180, v59;
	v60 =	vadd.s32 v5, v6  }
0x17: {  	[tilespmem:s16], [sflag:$0x1] =	stream.indirect_vreg.gather [hbm4b:s5+s10], $0x1, v0, vm0, $0x4038;
	v62 =	vand.u32 $0x7F, v3;
	v63 =	vor.u32 v61, v60;
	[tilespmem:$0x800] =	vst v63  }
0x18: {  	(ifvalue) =	ssetifvalue $0x7FFFFFFF;
	v0 =	vor.u32 v62, v63  }
0x19: {  	[tilespmem:s15], [sflag:$0x1] =	stream.indirect_vreg.gather [hbm4b:s5+s10], $0x1, v2, vm0, $0x4038;
	[tilespmem:$0x800] =	vst v63  }
0x1a: {  	s29 =	sadd.s32 $0x10, s15;
	(ifvalue) =	ssetifvalue $0x7FFFFFFF  }
0x1b: {  	[tilespmem:s29], [sflag:$0x1] =	stream.indirect_vreg.gather [hbm4b:s5+s10], $0x1, v1, vm0, $0x4038;
	[tilespmem:$0x800] =	vst v63  }
0x1c: {  	s15 =	sadd.s32 $0x10, s29;
	(ifvalue) =	ssetifvalue $0x7FFFFFFF  }
0x1d: {  	[tilespmem:s15], [sflag:$0x1] =	stream.indirect_vreg.gather [hbm4b:s5+s10], $0x1, v0, vm0, $0x4038;
	[tilespmem:$0x800] =	vst v63  }
0x1e: {  	_ =	swait.ge [sflag:s6], $0x200  }
0x1f: {  	s30 =	sshrl.u32 s13, $0x3;
	[sflag:s6] =	ssyncset.done $0x0  }
0x20: {  	s31 =	sand.u32 $0x7, s13;
	s15 =	sadd.s32 s2, s30;
	[sflag:s6] =	ssyncadd.s32 $0xFFFFFE00  }
0x21: {  	[hbm4b:s15+s31] =	stream.linear.scatter [tilespmem:s14], [sflag:$0x3], $0x200, $0x38;
	[tilespmem:$0x800] =	vst v63  }
.LBB2_5:
0x22: {  	s15 =	sadd.s32 $0x4000, s11  }
0x23: {  	p2 =	sgt.s32 s15, $0x7FFF  }
0x24: {  	s15 =	smov.u32 @p2 s4;
	p2 =	sne.s32 s12, s9  }
.Ltmp1:
0x25: {  	p1 =	slt.u32 s12, $0x2;
	(pc) =	sbr.rel @!p2 .LBB2_6-.Ltmp1, $4  }
0x26: {  	s14 =	simm.s32 @!p1 $0x3  }
0x27: {  	s16 =	sadd.s32 $0x1, s12;
	_ =	swait.ge @!p1 [sflag:s14], $0x200  }
0x28: {  	s13 =	smov.u32 s11;
	p0 =	por !p0, !p0;
	[sflag:s14] =	ssyncset.done @!p1 $0x0  }
0x29: {  	s12 =	smov.u32 s16;
	s11 =	smov.u32 s15;
	[sflag:s14] =	ssyncadd.s32 @!p1 $0xFFFFFE00  }
.LBB2_1:
0x2a: {  	p1 =	sge.u32 s12, s8  }
0x2b: {  	s14 =	sxor.u32 @!p1 $0xFFFFFFFF, s12  }
0x2c: {  	s31 =	sadd.s32 $0xFFFFFFFF, s12;
	s15 =	sshrl.u32 @!p1 s11, $0x3;
	s14 =	sshll.u32 @!p1 s14, $0x9  }
0x2d: {  	s16 =	sand.u32 @!p1 $0x7, s11;
	s15 =	sadd.s32 @!p1 s3, s15;
	s14 =	sand.u32 @!p1 $0x200, s14  }
0x2e: {  	[tilespmem:s14], [sflag:$0x2] =	stream.linear.gather @!p1 [hbm4b:s15+s16], $0x200, $0x38;
	[tilespmem:$0x800] =	vst v63  }
0x2f: {  	p1 =	sge.u32 s31, s8  }
.Ltmp2:
0x30: {  	_ = 	snop;
	(pc) =	sbr.rel @p1 .LBB2_5-.Ltmp2, $1  }
0x31: {  	_ =	sdelay $0x3  }
0x32: {  	s14 =	simm.s32 $0x1  }
0x33: {  	_ =	swait.ge [sflag:s7], $0x200;
	s14 =	simm.s32 @!p0 $0x0  }
0x34: {  	[sflag:s7] =	ssyncset.done $0x0;
	s14 =	sshll.u32 s14, $0x9  }
0x35: {  	[sflag:s7] =	ssyncadd.s32 $0xFFFFFE00;
	(ifvalue) =	ssetifvalue $0x7FFFFFFF;
	v0 =	vld.msk [tilespmem:s14+$0x0 ss:$0x1], $0xffff;
	_ =	sdelay $0x4  }
0x36: {  	s15 =	sadd.s32 $0x10, s14;
	v2 =	vshrl.u32 v0, $0x2  }
0x37: {  	v1 =	vld.msk [tilespmem:s15+$0x0 ss:$0x1], $0xffff;
	vm1 =	veq.s32 v0, $0x80000000;
	v2 =	vand.u32 $0x7FFFFF, v2  }
0x38: {  	v0 =	vand.u32 $0x3, v0;
	v2 =	vsel vm1, $0xFFFFFFFF, v2  }
0x39: {  	v0 =	vsel vm1, $0xFFFFFFFF, v0;
	v3 =	vshll.u32 v2, $0x2  }
0x3a: {  	v4 =	vand.u32 $0xFE000000, v0;
	v0 =	vshll.u32 v0, $0x7;
	v3 =	vand.u32 $0xFFFFFE00, v3  }
0x3b: {  	v0 =	vand.u32 $0x180, v0;
	v3 =	vadd.s32 v4, v3  }
0x3c: {  	v2 =	vand.u32 $0x7F, v2;
	v4 =	vshrl.u32 v1, $0x2;
	v0 =	vor.u32 v0, v3  }
0x3d: {  	vm1 =	veq.s32 v1, $0x80000000;
	v4 =	vand.u32 $0x7FFFFF, v4;
	v0 =	vor.u32 v2, v0  }
0x3e: {  	s16 =	sshll.u32 s12, $0x9;
	s15 =	sadd.s32 $0x10, s15;
	v1 =	vand.u32 $0x3, v1;
	v3 =	vsel vm1, $0xFFFFFFFF, v4  }
0x3f: {  	s17 =	sand.u32 $0x200, s16;
	v2 =	vsel vm1, $0xFFFFFFFF, v1;
	v1 =	vld.msk [tilespmem:s15+$0x0 ss:$0x1], $0xffff;
	v4 =	vshll.u32 v3, $0x2  }
0x40: {  	s16 =	sor.u32 $0x400, s14;
	s14 =	sor.u32 $0x400, s17;
	s17 =	simm.s32 $0x30;
	v5 =	vshll.u32 v2, $0x7;
	v6 =	vand.u32 $0xFE000000, v2;
	v4 =	vand.u32 $0xFFFFFE00, v4  }
0x41: {  	s18 =	sadd.s32 $0x10, s15;
	(ifvalue) =	ssetifvalue $0x7FFFFFFF;
	s15 =	sadd.s32 $0x10, s16;
	v2 =	vand.u32 $0x7F, v3;
	v3 =	vadd.s32 v6, v4;
	v4 =	vand.u32 $0x180, v5  }
.LBB2_3:
0x42: {  	[tilespmem:s16], [sflag:$0x1] =	stream.indirect_vreg.gather [hbm4b:s5+s10], $0x1, v0, vm0, $0x4038;
	[tilespmem:$0x800] =	vst v63  }
0x43: {  	s17 =	sadd.s32 $0x10, s17  }
0x44: {  	v5 =	vand.u32 $0x3, v1;
	v6 =	vshrl.u32 v1, $0x2;
	v3 =	vor.u32 v4, v3;
	v0 =	vmovc v1;
	v1 =	vld.msk [tilespmem:s18+$0x0 ss:$0x1], $0xffff;
	p1 =	slt.u32 s17, $0x1F0  }
.Ltmp3:
0x45: {  	s16 =	smov.u32 s15;
	vm1 =	veq.s32 v0, $0x80000000;
	v4 =	vand.u32 $0x7FFFFF, v6;
	v0 =	vor.u32 v2, v3;
	(pc) =	sbr.rel @p1 .LBB2_3-.Ltmp3, $4  }
0x46: {  	v3 =	vsel vm1, $0xFFFFFFFF, v5;
	v4 =	vsel vm1, $0xFFFFFFFF, v4  }
0x47: {  	v2 =	vand.u32 $0x7F, v4;
	v4 =	vshll.u32 v4, $0x2;
	v5 =	vshll.u32 v3, $0x7  }
0x48: {  	v3 =	vand.u32 $0xFE000000, v3;
	v4 =	vand.u32 $0xFFFFFE00, v4  }
0x49: {  	s18 =	sadd.s32 $0x10, s18;
	s15 =	sadd.s32 $0x10, s15;
	v3 =	vadd.s32 v3, v4;
	v4 =	vand.u32 $0x180, v5;
	(ifvalue) =	ssetifvalue $0x7FFFFFFF  }
.Ltmp4:
0x4a: {  	_ = 	snop;
	(pc) =	sbr.rel .LBB2_4-.Ltmp4, $1  }
0x4b: {  	_ =	sdelay $0x3  }
.LBB2_6:
0x4c: {  	_ =	sfence.sel $0x180000  }
0x4d: {  	s2 =	simm.s32 $0x2;
	[bflag:$0x0] =	sbarrier.arrive $0xFFFF  }
0x4e: {  	s30 =	simm.s32 $0x3;
	[sflag:s2] =	ssyncpa.u1 $0x1  }
0x4f: {  	s31 =	simm.s32 $0x1;
	[sflag:s30] =	ssyncpa.u1 $0x1  }
0x50: {  	[sflag:s31] =	ssyncpa.u1 $0x1  }
0x51: {  	p0 =	sne.s32 s0, $0x0;
	_ =	strace $0x9000004D  }
0x52: {  	s0 =	sadd.s32 @!p0 $0x100000, s1;
	[bflag:$0x2] =	sbarrier.arrive $0xFFFF  }
0x53: {  	[sflag:s0] =	ssyncadd.tile.s32 @!p0 $0x1;
	_ =	shalt  }
.Lfunc_end2:
_tile_overlayer_lowered:
.L_overlay_start_2:
0x54: {  	(tag) =	ssettag $0x2  }
0x55: {  	s0 =	rddreg [dreg:$0x0];
	s2 =	stileid.u32  }
0x56: {  	s1 =	rddreg [dreg:$0x1];
	p0 =	sne.s32 s2, $0x0  }
0x57: {  	s3 =	rddreg [dreg:$0x2];
	[bflag:$0x3] =	sbarrier.arrive $0xFFFF;
	s2 =	simm.s32 @!p0 $0x1C01  }
0x58: {  	[timem:s3], [sflag:s2] =	dma.local @!p0 [hbm:s0], s1  }
0x59: {  	s0 =	simm.s32 @!p0 $0x1  }
0x5a: {  	_ =	swait.ge @!p0 [sflag:s0], s1  }
0x5b: {  	s1 =	ssub.s32 @!p0 $0x0, s1;
	[sflag:s0] =	ssyncset.done @!p0 $0x0  }
0x5c: {  	[sflag:s0] =	ssyncadd.s32 @!p0 s1  }
0x5d: {  	[bflag:$0x3] =	sbarrier.arrive $0xFFFF  }
0x5e: {  	_ =	shalt  }

// kernel: kernel.5.cloned.1.call-start
scs
__scs_entry_jumppad:
0x0: {  	(pc) =	sbr.rel $0x88, $3  }
0x1: {  	(tag) =	ssettag $0x0;
	lr =	simm.s32 $0x1  }
0x2: {  	[smem:$0x3F9C] =	sst lr;
	_ =	strace $0xD0000000  }
0x3: {  	_ = 	snop  }
0x4: {  	_ = 	snop  }
0x5: {  	_ = 	snop  }
0x6: {  	_ = 	snop  }
0x7: {  	_ = 	snop  }
__scs_overlays_trampoline_lowered:
0x8: {  	[smem:$0x3FAB] =	sst s0  }
0x9: {  	[smem:$0x3FAC] =	sst s1  }
0xa: {  	[smem:$0x3FAD] =	sst s2  }
0xb: {  	[smem:$0x3FAE] =	sst s3  }
0xc: {  	[smem:$0x3FAF] =	sst s4  }
0xd: {  	[smem:$0x3FB0] =	sst s5  }
0xe: {  	[smem:$0x3FB1] =	sst s6  }
0xf: {  	[smem:$0x3FB2] =	sst s7  }
0x10: {  	[smem:$0x3FB3] =	sst s8  }
0x11: {  	[smem:$0x3FB4] =	sst s9;
	s0 =	simm.s32 @!p0 $0x0  }
0x12: {  	s1 =	sld [smem:$0x3F9A];
	s0 =	simm.s32 @p0 $0x1  }
0x13: {  	[smem:$0x3FB5] =	sst s0;
	s0 =	simm.s32 @!p1 $0x0  }
0x14: {  	s2 =	sld [smem:$0x3F99];
	s0 =	simm.s32 @p1 $0x1  }
0x15: {  	[smem:$0x3FB6] =	sst s0;
	s0 =	simm.s32 @!p2 $0x0  }
0x16: {  	s3 =	sld [smem:$0x3FDB];
	s0 =	simm.s32 @p2 $0x1  }
0x17: {  	s4 =	simm.s32 $0x1BF5;
	[smem:$0x3FB8] =	sst s0  }
0x18: {  	s0 =	sld [smem:$0x3F9B];
	_ =	swait.ge [sflag:s4], $0x0  }
0x19: {  	s7 =	sld [smem:$0x3F9C]  }
0x1a: {  	s8 =	sadd.s32 $0xFFFFE003, lr  }
0x1b: {  	s9 =	sadd.s32 $0xFFFFFEF7, lr;
	s5 =	simm.s32 $0xFFFFFFFF;
	p2 =	slt.u32 s8, $0xFFFFF086  }
0x1c: {  	p1 =	slt.u32 s9, $0xF7A;
	s5 =	simm.s32 @!p2 $0x0  }
0x1d: {  	s5 =	simm.s32 @p1 $0x1;
	p0 =	seq.s32 s7, s2  }
0x1e: {  	s7 =	smul.u32 @!p0 $0xF7A, s2;
	p2 =	seq.s32 @!p0 s5, $0x0  }
0x1f: {  	s9 =	smul.u32 $0xF7A, s1;
	s8 =	simm.s32 @!p0 $0x1BF5;
	p2 =	por !p2, p0  }
0x20: {  	[sflag:s8] =	ssyncset.s32 @!p0 $0xFFFFF086;
	s6 =	sadd.s32 @!p0 s3, s7;
	s7 =	simm.s32 @!p0 $0x108  }
0x21: {  	s3 =	sadd.s32 s3, s9;
	s6 =	sadd.s32 @!p0 $0x88, s6;
	s7 =	simm.s32 @p2 $0x1082  }
0x22: {  	[simem:s7], [sflag:s8] =	dma.local @!p0 [hbm:s6], $0xF7A  }
0x23: {  	s9 =	sor.u32 $0xD0000000, s2;
	s6 =	simm.s32 $0x108;
	_ =	swait.ge @!p0 [sflag:s8], $0x0  }
0x24: {  	s3 =	sadd.s32 $0x88, s3;
	s6 =	simm.s32 @!p1 $0x1082;
	[sflag:s4] =	ssyncset.s32 $0xFFFFF086  }
0x25: {  	[simem:s6], [sflag:s4] =	dma.local [hbm:s3], $0xF7A  }
0x26: {  	[smem:$0x3F9C] =	sst s1;
	(tag) =	ssettag s2;
	_ =	strace s9  }
0x27: {  	s1 =	sld [smem:$0x3FAC]  }
0x28: {  	s2 =	sld [smem:$0x3FAD]  }
0x29: {  	s4 =	sld [smem:$0x3FAF]  }
0x2a: {  	p0 =	seq.s32 s5, $0x0;
	s5 =	sld [smem:$0x3FB0]  }
0x2b: {  	s6 =	sld [smem:$0x3FB1]  }
0x2c: {  	s7 =	sld [smem:$0x3FB2]  }
0x2d: {  	s3 =	simm.s32 $0x108;
	s8 =	sld [smem:$0x3FB3]  }
0x2e: {  	s3 =	simm.s32 @!p0 $0x1082;
	s9 =	sld [smem:$0x3FB4]  }
0x2f: {  	lr =	sadd.s32 s0, s3;
	s0 =	sld [smem:$0x3FAB]  }
0x30: {  	s3 =	sld [smem:$0x3FAE]  }
0x31: {  	[smem:$0x3FB7] =	sst s10  }
0x32: {  	s10 =	sld [smem:$0x3FB5];
	_ =	sdelay $0x3  }
0x33: {  	p0 =	seq.s32 s10, $0x1;
	s10 =	sld [smem:$0x3FB7];
	_ =	sdelay $0x3  }
0x34: {  	[smem:$0x3FB7] =	sst s10  }
0x35: {  	s10 =	sld [smem:$0x3FB6];
	_ =	sdelay $0x3  }
0x36: {  	p1 =	seq.s32 s10, $0x1;
	s10 =	sld [smem:$0x3FB7];
	_ =	sdelay $0x3  }
0x37: {  	[smem:$0x3FB7] =	sst s10  }
0x38: {  	s10 =	sld [smem:$0x3FB8]  }
0x39: {  	_ = 	snop;
	(pc) =	sbr.ind lr, $3  }
0x3a: {  	_ = 	snop  }
0x3b: {  	_ = 	snop  }
0x3c: {  	p2 =	seq.s32 s10, $0x1;
	s10 =	sld [smem:$0x3FB7]  }
0x3d: {  	_ =	shalt  }
0x3e: {  	_ =	shalt  }
0x3f: {  	_ =	shalt  }
0x40: {  	_ =	shalt  }
0x41: {  	_ =	shalt  }
0x42: {  	_ =	shalt  }
0x43: {  	_ =	shalt  }
0x44: {  	_ =	shalt  }
0x45: {  	_ =	shalt  }
0x46: {  	_ =	shalt  }
0x47: {  	_ =	shalt  }
0x48: {  	_ =	shalt  }
0x49: {  	_ =	shalt  }
0x4a: {  	_ =	shalt  }
0x4b: {  	_ =	shalt  }
0x4c: {  	_ =	shalt  }
0x4d: {  	_ =	shalt  }
0x4e: {  	_ =	shalt  }
0x4f: {  	_ =	shalt  }
0x50: {  	_ =	shalt  }
0x51: {  	_ =	shalt  }
0x52: {  	_ =	shalt  }
0x53: {  	_ =	shalt  }
0x54: {  	_ =	shalt  }
0x55: {  	_ =	shalt  }
0x56: {  	_ =	shalt  }
0x57: {  	_ =	shalt  }
0x58: {  	_ =	shalt  }
0x59: {  	_ =	shalt  }
0x5a: {  	_ =	shalt  }
0x5b: {  	_ =	shalt  }
0x5c: {  	_ =	shalt  }
0x5d: {  	_ =	shalt  }
0x5e: {  	_ =	shalt  }
0x5f: {  	_ =	shalt  }
0x60: {  	_ =	shalt  }
0x61: {  	_ =	shalt  }
0x62: {  	_ =	shalt  }
0x63: {  	_ =	shalt  }
0x64: {  	_ =	shalt  }
0x65: {  	_ =	shalt  }
0x66: {  	_ =	shalt  }
0x67: {  	_ =	shalt  }
0x68: {  	_ =	shalt  }
0x69: {  	_ =	shalt  }
0x6a: {  	_ =	shalt  }
0x6b: {  	_ =	shalt  }
0x6c: {  	_ =	shalt  }
0x6d: {  	_ =	shalt  }
0x6e: {  	_ =	shalt  }
0x6f: {  	_ =	shalt  }
0x70: {  	_ =	shalt  }
0x71: {  	_ =	shalt  }
0x72: {  	_ =	shalt  }
0x73: {  	_ =	shalt  }
0x74: {  	_ =	shalt  }
0x75: {  	_ =	shalt  }
0x76: {  	_ =	shalt  }
0x77: {  	_ =	shalt  }
0x78: {  	_ =	shalt  }
0x79: {  	_ =	shalt  }
0x7a: {  	_ =	shalt  }
0x7b: {  	_ =	shalt  }
0x7c: {  	_ =	shalt  }
0x7d: {  	_ =	shalt  }
0x7e: {  	_ =	shalt  }
0x7f: {  	_ =	shalt  }
0x80: {  	_ =	shalt  }
0x81: {  	_ =	shalt  }
0x82: {  	_ =	shalt  }
0x83: {  	_ =	shalt  }
0x84: {  	_ =	shalt  }
0x85: {  	_ =	shalt  }
0x86: {  	_ =	shalt  }
0x87: {  	_ =	shalt  }
.Lfunc_end0:
.L_simem_size_0:
called_computation.2_lowered:
.L_overlay_start_0:
0x88: {  	s2 =	sld [smem:$0x3FD9]  }
0x89: {  	s3 =	sld [smem:$0x3FFE];
	_ =	sdelay $0x1  }
0x8a: {  	s1 =	srdreg.scid  }
0x8b: {  	s0 =	sand.u32 $0x1, s1  }
0x8c: {  	s17 =	sshll.u32 s0, $0xA;
	s2 =	sadd.s32 s3, s2  }
0x8d: {  	s2 =	sadd.s32 s2, s17  }
0x8e: {  	[smem:$0x3FC3] =	sst s2  }
0x8f: {  	_ = 	snop  }
0x90: {  	s2 =	sld [smem:$0x3FD0];
	(tm) =	ssettm $0x1  }
0x91: {  	s18 =	sld [smem:$0x3FFB];
	_ =	sdelay $0x3  }
0x92: {  	_ =	strace s18  }
0x93: {  	s3 =	sld [smem:$0x3FFC];
	_ =	sdelay $0x3  }
0x94: {  	_ =	strace s3  }
0x95: {  	s3 =	sld [smem:$0x3FFD];
	_ =	sdelay $0x3  }
0x96: {  	_ =	strace s3  }
0x97: {  	_ =	strace $0x8FFFFFFF  }
0x98: {  	s19 =	sld [smem:$0x3FDB];
	_ =	sdelay $0x1  }
0x99: {  	s4 =	simm.s32 $_scs_section_size  }
0x9a: {  	s5 =	simm.s32 $_size__tile_overlayer_lowered;
	s6 =	simm.s32 $_tile_overlayer_lowered  }
0x9b: {  	s22 =	simm.s32 $0x1BFF;
	s21 =	sshll.u32 s6, $0x1;
	s3 =	sadd.s32 s4, s19  }
0x9c: {  	s7 =	simm.s32 $0x0;
	s20 =	sshll.u32 s5, $0x1;
	s5 =	sadd.s32 s21, s3  }
0x9d: {  	[timem:s7], [sflag:s22] =	dma.local [hbm:s5], s20  }
0x9e: {  	_ =	swait.ge [sflag:s22], s20  }
0x9f: {  	s4 =	ssub.s32 $0x0, s20;
	[sflag:s22] =	ssyncset.done $0x0  }
0xa0: {  	[sflag:s22] =	ssyncadd.s32 s4;
	_ =	sdelay $0x1  }
0xa1: {  	s23 =	simm.s32 $0x1B8B  }
0xa2: {  	_ =	swait.ge [sflag:s23], $0x1  }
0xa3: {  	[sflag:s23] =	ssyncset.done $0x0  }
0xa4: {  	s25 =	simm.s32 $0x1B8E;
	s24 =	sld [smem:$0x3FFE];
	[sflag:s23] =	ssyncadd.s32 $0xFFFFFFFF  }
0xa5: {  	s26 =	simm.s32 $execute0_lowered;
	[smem:$0x3FD2] =	sst s25  }
0xa6: {  	s5 =	sshll.u32 s26, $0x1;
	_ =	strace $0x80000046;
	[dreg:$0x1] =	wrdreg $0xFFFFFFFF  }
0xa7: {  	s28 =	simm.s32 $_size_execute0_lowered;
	s3 =	sadd.s32 s3, s5;
	[dreg:$0x0] =	wrdreg $0x0  }
0xa8: {  	s5 =	sshll.u32 s28, $0x1;
	[dreg:$0x2] =	wrdreg s3  }
0xa9: {  	[dreg:$0x3] =	wrdreg s5  }
0xaa: {  	[dreg:$0x4] =	wrdreg $0xC0  }
0xab: {  	_ =	task [dreg:s7], $0x5FFFF  }
0xac: {  	[dreg:$0x1] =	wrdreg $0xFFFFFFFF  }
0xad: {  	[dreg:$0x0] =	wrdreg $0x60  }
0xae: {  	[dreg:$0x2] =	wrdreg s2  }
0xaf: {  	[dreg:$0x3] =	wrdreg s24  }
0xb0: {  	[dreg:$0x4] =	wrdreg $0x132000  }
0xb1: {  	[dreg:$0x5] =	wrdreg $0xA  }
0xb2: {  	_ =	task.clear_ibuf [dreg:s7], $0x6FFFF;
	_ =	strace $0x90000046  }
0xb3: {  	s29 =	simm.s32 $0xA;
	_ =	strace $0x80000048  }
0xb4: {  	_ =	swait.ge [sflag:s29], $0x1  }
0xb5: {  	[sflag:s29] =	ssyncadd.s32 $0xFFFFFFFF  }
0xb6: {  	_ =	strace $0x90000048  }
0xb7: {  	_ =	sfence  }
0xb8: {  	s30 =	sld [smem:$0x0];
	_ =	sdelay $0x2  }
0xb9: {  	s31 =	sshll.u32 s1, $0xD;
	s1 =	sshrl.u32 s1, $0x2  }
0xba: {  	s3 =	sand.u32 $0x4000, s31;
	s1 =	sadd.s32 s1, s30  }
0xbb: {  	s0 =	sor.u32 s3, s0;
	s1 =	sshll.u32 s1, $0x11  }
0xbc: {  	s0 =	sor.u32 s1, s0  }
0xbd: {  	s0 =	sadd.s32 $0x8F2B, s0  }
0xbe: {  	[sflag:s0] =	ssyncadd.remote.s32 $0x1  }
0xbf: {  	_ =	sfence.sel $0xFFFF  }
0xc0: {  	[dreg:$0x0] =	wrdreg $0xFFFFFFFF;
	(pc) =	sbr.abs _section_cstart, $3  }
0xc1: {  	[dreg:$0x1] =	wrdreg $0xFFFFFFFF  }
0xc2: {  	_ =	task.clear_ibuf [dreg:s7], $0x2FFFF;
	_ =	strace $0x9FFFFFFF  }
0xc3: {  	(tm) =	ssettm $0x7FFFFFFF  }
tec
execute0_lowered:
.L_overlay_start_1:
0x0: {  	(tag) =	ssettag $0x1  }
0x1: {  	s0 =	rddreg [dreg:$0x0]  }
0x2: {  	s3 =	rddreg [dreg:$0x1]  }
0x3: {  	s1 =	srdreg.scid;
	s16 =	rddreg [dreg:$0x2]  }
0x4: {  	s9 =	stileid.u32;
	s6 =	simm.s32 $0x1;
	s18 =	simm.s32 $0x11000  }
0x5: {  	s19 =	simm.s32 $0x12000;
	s21 =	simm.s32 $0x0;
	s1 =	sand.u32 $0x1, s1  }
0x6: {  	s5 =	sand.u32 $0x7, s9;
	s17 =	sshll.u32 s9, $0xC;
	s2 =	sshll.u32 s1, $0x4  }
0x7: {  	p1 =	sne.s32 s5, $0x0;
	s1 =	ssub.s32 $0x2, s1;
	s30 =	sand.u32 $0x8000, s17  }
0x8: {  	s31 =	sor.u32 $0x7000, s17;
	s4 =	sor.u32 s9, s2;
	s2 =	simm.s32 $0x0  }
0x9: {  	s29 =	sshrl.u32 s1, $0x1;
	p0 =	seq.s32 s4, $0x0;
	[smem:$0x7FF] =	sst s2  }
0xa: {  	s7 =	sshll.u32 s4, $0x6;
	s4 =	sshrl.u32 s4, $0x3;
	s1 =	ssub.s32 s1, s29  }
0xb: {  	p0 =	por !p1, !p0;
	_ =	strace $0x80000047;
	s8 =	sadd.s32 s7, s3  }
0xc: {  	s3 =	sshll.u32 s5, $0x10;
	s7 =	sadd.s32 s30, s16;
	p0 =	por !p0, !p0  }
0xd: {  	s9 =	smax.u32 s1, $0x1;
	s8 =	sadd.s32 $0x400000, s8;
	s6 =	simm.s32 @!p0 $0x0  }
0xe: {  	s10 =	sadd.s32 $0x1000, s7;
	s11 =	sadd.s32 $0x2000, s7;
	s4 =	ssub.s32 s4, s6  }
0xf: {  	s12 =	sadd.s32 $0x3000, s7;
	s13 =	sadd.s32 $0x4000, s7;
	s4 =	sshll.u32 s4, $0x13  }
0x10: {  	s14 =	sadd.s32 $0x5000, s7;
	s15 =	sadd.s32 $0x6000, s7;
	s5 =	sor.u32 s3, s4  }
0x11: {  	v0 =	vimm.s32 $0x0;
	v1 =	vlaneseq.u32;
	s6 =	sadd.s32 s17, s16;
	s16 =	sadd.s32 s31, s16;
	s5 =	sshrl.u32 s5, $0x3  }
0x12: {  	v3 =	vimm.s32 $0x1;
	v4 =	vimm.s32 $0xFFFFFFFF;
	v2 =	vor.u32 $0x800, v1;
	s17 =	simm.s32 $0x10000;
	s4 =	simm.s32 $0x1;
	s5 =	sadd.s32 s0, s5  }
.LBB2_1:
0x13: {  	[tilespmem:s2], [sflag:$0x1] =	stream.linear.gather [hbm4b:s5+s2], $0x10000, $0x38;
	[tilespmem:$0x14200] =	vst v63  }
0x14: {  	_ =	swait.ge [sflag:s4], $0x10000  }
0x15: {  	[sflag:s4] =	ssyncset.done $0x0  }
0x16: {  	s0 =	simm.s32 $0x0;
	[sflag:s4] =	ssyncadd.s32 $0xFFFF0000  }
.LBB2_2:
0x17: {  	p0 =	sne.s32 s0, $0x3FC0  }
.Ltmp0:
0x18: {  	_ = 	snop;
	(pc) =	sbr.rel @p0 .LBB2_2-.Ltmp0, $3  }
0x19: {  	_ =	sdelay $0x1  }
0x1a: {  	s1 =	sshra.s32 s0, $0x2  }
0x1b: {  	s0 =	sadd.s32 $0x40, s0;
	[tilespmem:s1+$0x10000] =	vst v0  }
0x1c: {  	s0 =	simm.s32 $0x0  }
0x1d: {  	s1 =	sand.u32 $0xC000, s0;
	s22 =	sand.u32 $0x3C00, s0  }
0x1e: {  	s23 =	sand.u32 $0x380, s0;
	s1 =	sor.u32 s22, s1  }
0x1f: {  	s0 =	sand.u32 $0x70, s0;
	s1 =	sor.u32 s23, s1  }
0x20: {  	s0 =	sor.u32 s0, s1  }
0x21: {  	v5 =	vld [tilespmem:s0+$0x0];
	_ =	sdelay $0x4  }
0x22: {  	v6 =	vshra.s32 v5, $0x14  }
0x23: {  	v6 =	vand.u32 $0xFFFFFFF0, v6  }
0x24: {  	vm0 =	vlt.s32 v5, $0x0;
	v5 =	vxor.u32 $0x7F0, v6  }
0x25: {  	v5 =	vsel vm0, v5, v6  }
0x26: {  	v5 =	vadd.s32 v2, v5  }
0x27: {  	s24 =	simm.s32 $0x1;
	s22 =	simm.s32 $0x10;
	s23 =	simm.s32 $0x80  }
0x28: {  	s1 =	sand.u32 $0xC000, s22;
	s25 =	sand.u32 $0x3C00, s23;
	s0 =	simm.s32 $0x2  }
.LBB2_4:
0x29: {  	p0 =	sne.s32 s0, $0xFFF;
	s24 =	sand.u32 $0x380, s24;
	s1 =	sor.u32 s25, s1  }
0x2a: {  	s25 =	sand.u32 $0x70, s22;
	s1 =	sor.u32 s24, s1;
	s24 =	smov.u32 s0  }
0x2b: {  	s1 =	sor.u32 s25, s1;
	[tilespmem:v5+s17+$0x0] =	vst.idx.add.s32.msk $0xffff, v3  }
0x2c: {  	v5 =	vld [tilespmem:s1+$0x0];
	_ =	sdelay $0x4  }
0x2d: {  	v6 =	vshra.s32 v5, $0x14  }
0x2e: {  	v6 =	vand.u32 $0xFFFFFFF0, v6  }
.Ltmp1:
0x2f: {  	vm0 =	vlt.s32 v5, $0x0;
	v5 =	vxor.u32 $0x7F0, v6;
	(pc) =	sbr.rel @p0 .LBB2_4-.Ltmp1, $4  }
0x30: {  	v5 =	vsel vm0, v5, v6  }
0x31: {  	v5 =	vadd.s32 v2, v5  }
0x32: {  	s23 =	sadd.s32 $0x80, s23;
	s22 =	sadd.s32 $0x10, s22  }
0x33: {  	s0 =	sadd.s32 $0x1, s0;
	s25 =	sand.u32 $0x3C00, s23;
	s1 =	sand.u32 $0xC000, s22  }
0x34: {  	_ =	sdelay $0x1  }
0x35: {  	s0 =	sand.u32 $0x380, s24;
	s1 =	sor.u32 s25, s1  }
0x36: {  	s22 =	sand.u32 $0x70, s22;
	s0 =	sor.u32 s0, s1  }
0x37: {  	[tilespmem:v5+s17+$0x0] =	vst.idx.add.s32.msk $0xffff, v3;
	s0 =	sor.u32 s22, s0  }
0x38: {  	v5 =	vld [tilespmem:s0+$0x0];
	_ =	sdelay $0x4  }
0x39: {  	v6 =	vshra.s32 v5, $0x14  }
0x3a: {  	v6 =	vand.u32 $0xFFFFFFF0, v6  }
0x3b: {  	vm0 =	vlt.s32 v5, $0x0;
	v5 =	vxor.u32 $0x7F0, v6  }
0x3c: {  	v5 =	vsel vm0, v5, v6  }
0x3d: {  	v5 =	vadd.s32 v2, v5;
	_ =	sdelay $0x4  }
0x3e: {  	[tilespmem:v5+s17+$0x0] =	vst.idx.add.s32.msk $0xffff, v3  }
0x3f: {  	[spmem:s6] =	stream.linear.scatter [tilespmem:s17], [sflag:$0x1], $0x1000, $0x38;
	[tilespmem:$0x14200] =	vst v63  }
0x40: {  	_ =	swait.ge [sflag:s4], $0x1000  }
0x41: {  	[sflag:s4] =	ssyncset.done $0x0  }
0x42: {  	[sflag:s4] =	ssyncadd.s32 $0xFFFFF000  }
0x43: {  	[bflag:$0x0] =	sbarrier.arrive $0xFFFF  }
0x44: {  	[tilespmem:s18], [sflag:$0x1] =	stream.linear.gather [spmem:s7], $0x1000, $0x38;
	[tilespmem:$0x14200] =	vst v63  }
0x45: {  	_ =	swait.ge [sflag:s4], $0x1000  }
0x46: {  	[sflag:s4] =	ssyncset.done $0x0  }
0x47: {  	[sflag:s4] =	ssyncadd.s32 $0xFFFFF000  }
0x48: {  	[tilespmem:s19], [sflag:$0x1] =	stream.linear.gather [spmem:s10], $0x1000, $0x38;
	[tilespmem:$0x14200] =	vst v63  }
0x49: {  	_ =	swait.ge [sflag:s4], $0x1000  }
0x4a: {  	[sflag:s4] =	ssyncset.done $0x0  }
0x4b: {  	s0 =	simm.s32 $0x0;
	[sflag:s4] =	ssyncadd.s32 $0xFFFFF000  }
0x4c: {  	s1 =	simm.s32 $0x40;
	v5 =	vld [tilespmem:s0+$0x12000]  }
.LBB2_6:
0x4d: {  	p0 =	sne.s32 s1, $0x3FC0;
	v6 =	vld [tilespmem:s0+$0x11000];
	_ =	sdelay $0x1  }
.Ltmp2:
0x4e: {  	(pc) =	sbr.rel @p0 .LBB2_6-.Ltmp2, $3  }
0x4f: {  	_ =	sdelay $0x1  }
0x50: {  	s22 =	sshra.s32 s1, $0x2;
	v6 =	vadd.s32 v6, v5  }
0x51: {  	s1 =	sadd.s32 $0x40, s1;
	v5 =	vld [tilespmem:s22+$0x12000];
	[tilespmem:s0+$0x11000] =	vst v6;
	s0 =	smov.u32 s22  }
0x52: {  	v6 =	vld [tilespmem:s0+$0x11000];
	_ =	sdelay $0x4  }
0x53: {  	v5 =	vadd.s32 v6, v5  }
0x54: {  	[tilespmem:s0+$0x11000] =	vst v5  }
0x55: {  	[tilespmem:s19], [sflag:$0x1] =	stream.linear.gather [spmem:s11], $0x1000, $0x38;
	[tilespmem:$0x14200] =	vst v63  }
0x56: {  	_ =	swait.ge [sflag:s4], $0x1000  }
0x57: {  	[sflag:s4] =	ssyncset.done $0x0  }
0x58: {  	s0 =	simm.s32 $0x0;
	[sflag:s4] =	ssyncadd.s32 $0xFFFFF000  }
0x59: {  	s1 =	simm.s32 $0x40;
	v5 =	vld [tilespmem:s0+$0x12000]  }
.LBB2_8:
0x5a: {  	p0 =	sne.s32 s1, $0x3FC0;
	v6 =	vld [tilespmem:s0+$0x11000];
	_ =	sdelay $0x1  }
.Ltmp3:
0x5b: {  	(pc) =	sbr.rel @p0 .LBB2_8-.Ltmp3, $3  }
0x5c: {  	_ =	sdelay $0x1  }
0x5d: {  	s22 =	sshra.s32 s1, $0x2;
	v6 =	vadd.s32 v6, v5  }
0x5e: {  	s1 =	sadd.s32 $0x40, s1;
	v5 =	vld [tilespmem:s22+$0x12000];
	[tilespmem:s0+$0x11000] =	vst v6;
	s0 =	smov.u32 s22  }
0x5f: {  	v6 =	vld [tilespmem:s0+$0x11000];
	_ =	sdelay $0x4  }
0x60: {  	v5 =	vadd.s32 v6, v5  }
0x61: {  	[tilespmem:s0+$0x11000] =	vst v5  }
0x62: {  	[tilespmem:s19], [sflag:$0x1] =	stream.linear.gather [spmem:s12], $0x1000, $0x38;
	[tilespmem:$0x14200] =	vst v63  }
0x63: {  	_ =	swait.ge [sflag:s4], $0x1000  }
0x64: {  	[sflag:s4] =	ssyncset.done $0x0  }
0x65: {  	s0 =	simm.s32 $0x0;
	[sflag:s4] =	ssyncadd.s32 $0xFFFFF000  }
0x66: {  	s1 =	simm.s32 $0x40;
	v5 =	vld [tilespmem:s0+$0x12000]  }
.LBB2_10:
0x67: {  	p0 =	sne.s32 s1, $0x3FC0;
	v6 =	vld [tilespmem:s0+$0x11000];
	_ =	sdelay $0x1  }
.Ltmp4:
0x68: {  	(pc) =	sbr.rel @p0 .LBB2_10-.Ltmp4, $3  }
0x69: {  	_ =	sdelay $0x1  }
0x6a: {  	s22 =	sshra.s32 s1, $0x2;
	v6 =	vadd.s32 v6, v5  }
0x6b: {  	s1 =	sadd.s32 $0x40, s1;
	v5 =	vld [tilespmem:s22+$0x12000];
	[tilespmem:s0+$0x11000] =	vst v6;
	s0 =	smov.u32 s22  }
0x6c: {  	v6 =	vld [tilespmem:s0+$0x11000];
	_ =	sdelay $0x4  }
0x6d: {  	v5 =	vadd.s32 v6, v5  }
0x6e: {  	[tilespmem:s0+$0x11000] =	vst v5  }
0x6f: {  	[tilespmem:s19], [sflag:$0x1] =	stream.linear.gather [spmem:s13], $0x1000, $0x38;
	[tilespmem:$0x14200] =	vst v63  }
0x70: {  	_ =	swait.ge [sflag:s4], $0x1000  }
0x71: {  	[sflag:s4] =	ssyncset.done $0x0  }
0x72: {  	s0 =	simm.s32 $0x0;
	[sflag:s4] =	ssyncadd.s32 $0xFFFFF000  }
0x73: {  	s1 =	simm.s32 $0x40;
	v5 =	vld [tilespmem:s0+$0x12000]  }
.LBB2_12:
0x74: {  	p0 =	sne.s32 s1, $0x3FC0;
	v6 =	vld [tilespmem:s0+$0x11000];
	_ =	sdelay $0x1  }
.Ltmp5:
0x75: {  	(pc) =	sbr.rel @p0 .LBB2_12-.Ltmp5, $3  }
0x76: {  	_ =	sdelay $0x1  }
0x77: {  	s22 =	sshra.s32 s1, $0x2;
	v6 =	vadd.s32 v6, v5  }
0x78: {  	s1 =	sadd.s32 $0x40, s1;
	v5 =	vld [tilespmem:s22+$0x12000];
	[tilespmem:s0+$0x11000] =	vst v6;
	s0 =	smov.u32 s22  }
0x79: {  	v6 =	vld [tilespmem:s0+$0x11000];
	_ =	sdelay $0x4  }
0x7a: {  	v5 =	vadd.s32 v6, v5  }
0x7b: {  	[tilespmem:s0+$0x11000] =	vst v5  }
0x7c: {  	[tilespmem:s19], [sflag:$0x1] =	stream.linear.gather [spmem:s14], $0x1000, $0x38;
	[tilespmem:$0x14200] =	vst v63  }
0x7d: {  	_ =	swait.ge [sflag:s4], $0x1000  }
0x7e: {  	[sflag:s4] =	ssyncset.done $0x0  }
0x7f: {  	s0 =	simm.s32 $0x0;
	[sflag:s4] =	ssyncadd.s32 $0xFFFFF000  }
0x80: {  	s1 =	simm.s32 $0x40;
	v5 =	vld [tilespmem:s0+$0x12000]  }
.LBB2_14:
0x81: {  	p0 =	sne.s32 s1, $0x3FC0;
	v6 =	vld [tilespmem:s0+$0x11000];
	_ =	sdelay $0x1  }
.Ltmp6:
0x82: {  	(pc) =	sbr.rel @p0 .LBB2_14-.Ltmp6, $3  }
0x83: {  	_ =	sdelay $0x1  }
0x84: {  	s22 =	sshra.s32 s1, $0x2;
	v6 =	vadd.s32 v6, v5  }
0x85: {  	s1 =	sadd.s32 $0x40, s1;
	v5 =	vld [tilespmem:s22+$0x12000];
	[tilespmem:s0+$0x11000] =	vst v6;
	s0 =	smov.u32 s22  }
0x86: {  	v6 =	vld [tilespmem:s0+$0x11000];
	_ =	sdelay $0x4  }
0x87: {  	v5 =	vadd.s32 v6, v5  }
0x88: {  	[tilespmem:s0+$0x11000] =	vst v5  }
0x89: {  	[tilespmem:s19], [sflag:$0x1] =	stream.linear.gather [spmem:s15], $0x1000, $0x38;
	[tilespmem:$0x14200] =	vst v63  }
0x8a: {  	_ =	swait.ge [sflag:s4], $0x1000  }
0x8b: {  	[sflag:s4] =	ssyncset.done $0x0  }
0x8c: {  	s0 =	simm.s32 $0x0;
	[sflag:s4] =	ssyncadd.s32 $0xFFFFF000  }
0x8d: {  	s1 =	simm.s32 $0x40;
	v5 =	vld [tilespmem:s0+$0x12000]  }
.LBB2_16:
0x8e: {  	p0 =	sne.s32 s1, $0x3FC0;
	v6 =	vld [tilespmem:s0+$0x11000];
	_ =	sdelay $0x1  }
.Ltmp7:
0x8f: {  	(pc) =	sbr.rel @p0 .LBB2_16-.Ltmp7, $3  }
0x90: {  	_ =	sdelay $0x1  }
0x91: {  	s22 =	sshra.s32 s1, $0x2;
	v6 =	vadd.s32 v6, v5  }
0x92: {  	s1 =	sadd.s32 $0x40, s1;
	v5 =	vld [tilespmem:s22+$0x12000];
	[tilespmem:s0+$0x11000] =	vst v6;
	s0 =	smov.u32 s22  }
0x93: {  	v6 =	vld [tilespmem:s0+$0x11000];
	_ =	sdelay $0x4  }
0x94: {  	v5 =	vadd.s32 v6, v5  }
0x95: {  	[tilespmem:s0+$0x11000] =	vst v5  }
0x96: {  	[tilespmem:s19], [sflag:$0x1] =	stream.linear.gather [spmem:s16], $0x1000, $0x38;
	[tilespmem:$0x14200] =	vst v63  }
0x97: {  	_ =	swait.ge [sflag:s4], $0x1000  }
0x98: {  	[sflag:s4] =	ssyncset.done $0x0  }
0x99: {  	s0 =	simm.s32 $0x0;
	[sflag:s4] =	ssyncadd.s32 $0xFFFFF000  }
0x9a: {  	s1 =	simm.s32 $0x40;
	v5 =	vld [tilespmem:s0+$0x12000]  }
.LBB2_18:
0x9b: {  	p0 =	sne.s32 s1, $0x3FC0;
	v6 =	vld [tilespmem:s0+$0x11000];
	_ =	sdelay $0x1  }
.Ltmp8:
0x9c: {  	(pc) =	sbr.rel @p0 .LBB2_18-.Ltmp8, $3  }
0x9d: {  	_ =	sdelay $0x1  }
0x9e: {  	s22 =	sshra.s32 s1, $0x2;
	v6 =	vadd.s32 v6, v5  }
0x9f: {  	s1 =	sadd.s32 $0x40, s1;
	v5 =	vld [tilespmem:s22+$0x12000];
	[tilespmem:s0+$0x11000] =	vst v6;
	s0 =	smov.u32 s22  }
0xa0: {  	v6 =	vld [tilespmem:s0+$0x11000];
	_ =	sdelay $0x4  }
0xa1: {  	v5 =	vadd.s32 v6, v5  }
0xa2: {  	[tilespmem:s0+$0x11000] =	vst v5  }
0xa3: {  	s22 =	simm.s32 $0x11FF0;
	[bflag:$0x0] =	sbarrier.arrive $0xFFFF  }
0xa4: {  	v5 =	vld [tilespmem:s22+$0x0];
	_ =	sdelay $0x4  }
0xa5: {  	(xrf0) =	vadd.scan.msk.s32 $0xffff, v5;
	_ =	sdelay $0x5  }
0xa6: {  	v5, _, _ =	vpop (xrf0)  }
0xa7: {  	(v2sf) =	vpush v5, $0xF;
	_ =	sdelay $0x1  }
0xa8: {  	s23 =	simm.s32 $0x11FE0  }
0xa9: {  	v5 =	vld [tilespmem:s23+$0x0];
	_ =	sdelay $0x2  }
0xaa: {  	s24 =	simm.s32 $0x11FD0  }
0xab: {  	v6 =	vld [tilespmem:s24+$0x0]  }
0xac: {  	(xrf0) =	vadd.scan.msk.s32 $0xffff, v5;
	_ =	sdelay $0x3  }
0xad: {  	(xrf0) =	vadd.scan.msk.s32 $0xffff, v6;
	_ =	sdelay $0x1  }
0xae: {  	v6, _, _ =	vpop (xrf0)  }
0xaf: {  	s26 =	spop (v2sf);
	(v2sf) =	vpush v6, $0xF  }
0xb0: {  	s25 =	simm.s32 $0x11FC0  }
0xb1: {  	v5 =	vld [tilespmem:s25+$0x0]  }
0xb2: {  	v6, _, _ =	vpop (xrf0)  }
0xb3: {  	(v2sf) =	vpush v6, $0xF;
	_ =	sdelay $0x2  }
0xb4: {  	s30 =	simm.s32 $0xFF;
	s29 =	simm.s32 $0xFE;
	s28 =	simm.s32 $0xFD;
	(xrf0) =	vadd.scan.msk.s32 $0xffff, v5  }
0xb5: {  	p1 =	por $0x1, $0x1;
	s0 =	simm.s32 $0x11FB0;
	s25 =	sadd.s32 $0x0, s26  }
0xb6: {  	s1 =	simm.s32 $0xFA;
	s31 =	simm.s32 $0x0;
	v5 =	vld [tilespmem:s0+$0x0];
	p0 =	sgt.s32 s25, $0xFF  }
0xb7: {  	s22 =	simm.s32 $0xFFFFFFFF;
	s24 =	simm.s32 $0xFB;
	p0 =	por !p1, !p0  }
0xb8: {  	s23 =	simm.s32 $0x0;
	s26 =	simm.s32 $0xFC;
	p0 =	por !p0, !p0  }
.LBB2_20:
0xb9: {  	p1 =	seq.s32 s1, $0x0;
	s22 =	smov.u32 @p0 s30;
	s23 =	smov.u32 @p0 s31  }
0xba: {  	v6, _, _ =	vpop (xrf0);
	s30 =	smov.u32 s29;
	s29 =	smov.u32 s28;
	s28 =	smov.u32 s26  }
0xbb: {  	s26 =	smov.u32 s24;
	s24 =	smov.u32 s1;
	s1 =	sadd.s32 $0xFFFFFFFF, s1;
	(xrf0) =	vadd.scan.msk.s32 $0xffff, v5;
	(v2sf) =	vpush v6, $0xF  }
.Ltmp9:
0xbc: {  	s0 =	sadd.s32 $0xFFFFFFF0, s0;
	s20 =	spop (v2sf);
	(pc) =	sbr.rel @!p1 .LBB2_20-.Ltmp9, $4  }
0xbd: {  	s31 =	smov.u32 s25;
	v5 =	vld [tilespmem:s0+$0x0];
	s25 =	sadd.s32 s25, s20  }
0xbe: {  	p2 =	slt.s32 s22, $0x0;
	p0 =	sgt.s32 s25, $0xFF  }
0xbf: {  	p0 =	por !p2, !p0  }
0xc0: {  	p0 =	por !p0, !p0  }
0xc1: {  	_ = 	snop  }
0xc2: {  	(xrf0) =	vadd.scan.msk.s32 $0xffff, v5;
	_ =	sdelay $0x1  }
0xc3: {  	v5, _, _ =	vpop (xrf0)  }
0xc4: {  	(v2sf) =	vpush v5, $0xF;
	_ =	sdelay $0x2  }
0xc5: {  	v5, _, _ =	vpop (xrf0)  }
0xc6: {  	(v2sf) =	vpush v5, $0xF;
	_ =	sdelay $0x2  }
0xc7: {  	s0 =	spop (v2sf)  }
0xc8: {  	s22 =	smov.u32 @p0 s30;
	s0 =	sadd.s32 s25, s0  }
0xc9: {  	p2 =	slt.s32 s22, $0x0;
	p1 =	sgt.s32 s0, $0xFF  }
0xca: {  	p1 =	por !p2, !p1  }
0xcb: {  	p1 =	por !p1, !p1;
	s1 =	spop (v2sf)  }
0xcc: {  	s22 =	smov.u32 @p1 s29;
	s1 =	sadd.s32 s0, s1  }
0xcd: {  	p3 =	slt.s32 s22, $0x0;
	p5 =	sgt.s32 s1, $0xFF  }
0xce: {  	p2 =	por !p3, !p5  }
0xcf: {  	p2 =	por !p2, !p2;
	s20 =	spop (v2sf)  }
0xd0: {  	s22 =	smov.u32 @p2 s28;
	s20 =	sadd.s32 s1, s20  }
0xd1: {  	p4 =	slt.s32 s22, $0x0;
	p6 =	sgt.s32 s20, $0xFF  }
0xd2: {  	p3 =	por !p4, !p6  }
0xd3: {  	p3 =	por !p3, !p3;
	s30 =	spop (v2sf)  }
0xd4: {  	s23 =	smov.u32 @p0 s31;
	s22 =	smov.u32 @p3 s26;
	s31 =	sadd.s32 s20, s30  }
0xd5: {  	s23 =	smov.u32 @p1 s25;
	p6 =	slt.s32 s22, $0x0;
	p5 =	sgt.s32 s31, $0xFF  }
0xd6: {  	s23 =	smov.u32 @p2 s0;
	p0 =	por !p6, !p5  }
0xd7: {  	s0 =	simm.s32 $0x40;
	s23 =	smov.u32 @p3 s1;
	p0 =	por !p0, !p0  }
0xd8: {  	s1 =	simm.s32 $0x0;
	s22 =	smov.u32 @p0 s24;
	s23 =	smov.u32 @p0 s20  }
.LBB2_22:
0xd9: {  	p0 =	seq.s32 s0, $0x3FC0;
	[tilespmem:s1+$0x10000] =	vst v0;
	s1 =	smov.u32 s0;
	s0 =	sadd.s32 $0x40, s0  }
.Ltmp10:
0xda: {  	(pc) =	sbr.rel @!p0 .LBB2_22-.Ltmp10, $2  }
0xdb: {  	_ =	sdelay $0x2  }
0xdc: {  	s1 =	sshra.s32 s1, $0x2  }
0xdd: {  	s0 =	simm.s32 $0x0  }
0xde: {  	s31 =	sand.u32 $0xC000, s0;
	s20 =	sand.u32 $0x3C00, s0  }
0xdf: {  	[tilespmem:s1+$0x10000] =	vst v0;
	s24 =	sand.u32 $0x380, s0;
	s1 =	sor.u32 s20, s31  }
0xe0: {  	s0 =	sand.u32 $0x70, s0;
	s1 =	sor.u32 s24, s1  }
0xe1: {  	s0 =	sor.u32 s0, s1  }
0xe2: {  	v6 =	vld [tilespmem:s0+$0x0];
	_ =	sdelay $0x4  }
0xe3: {  	vm0 =	vlt.s32 v6, $0x0;
	v7 =	vxor.u32 $0x7FFFFFFF, v6  }
0xe4: {  	v6 =	vsel vm0, v7, v6  }
0xe5: {  	v7 =	vshra.s32 v6, $0x18  }
0xe6: {  	v5 =	vmov s22;
	v6 =	vshrl.u32 v6, $0xC;
	v7 =	vadd.s32 $0x80, v7  }
0xe7: {  	v6 =	vand.u32 $0xFF0, v6;
	vm0 =	veq.s32 v7, v5  }
0xe8: {  	v6 =	vor.u32 v1, v6  }
0xe9: {  	s26 =	simm.s32 $0x1;
	s25 =	simm.s32 $0x80;
	s24 =	simm.s32 $0x10  }
0xea: {  	s28 =	simm.s32 $0x2;
	s1 =	sand.u32 $0x3C00, s25;
	s0 =	sand.u32 $0xC000, s24  }
.LBB2_24:
0xeb: {  	p0 =	sne.s32 s28, $0xFFF;
	s20 =	sand.u32 $0x380, s26;
	s0 =	sor.u32 s1, s0  }
0xec: {  	s1 =	sand.u32 $0x70, s24;
	s26 =	smov.u32 s28;
	s0 =	sor.u32 s20, s0  }
0xed: {  	s0 =	sor.u32 s1, s0;
	[tilespmem:v6+s17+$0x0] =	vst.idx.add.s32.msk vm0, v3  }
0xee: {  	v6 =	vld [tilespmem:s0+$0x0];
	_ =	sdelay $0x4  }
0xef: {  	vm0 =	vlt.s32 v6, $0x0;
	v7 =	vxor.u32 $0x7FFFFFFF, v6  }
0xf0: {  	v6 =	vsel vm0, v7, v6  }
0xf1: {  	v7 =	vshra.s32 v6, $0x18  }
.Ltmp11:
0xf2: {  	v6 =	vshrl.u32 v6, $0xC;
	v7 =	vadd.s32 $0x80, v7;
	(pc) =	sbr.rel @p0 .LBB2_24-.Ltmp11, $4  }
0xf3: {  	v6 =	vand.u32 $0xFF0, v6;
	vm0 =	veq.s32 v7, v5  }
0xf4: {  	v6 =	vor.u32 v1, v6  }
0xf5: {  	s25 =	sadd.s32 $0x80, s25;
	s24 =	sadd.s32 $0x10, s24  }
0xf6: {  	s28 =	sadd.s32 $0x1, s28;
	s1 =	sand.u32 $0x3C00, s25;
	s0 =	sand.u32 $0xC000, s24  }
0xf7: {  	_ =	sdelay $0x2  }
0xf8: {  	s20 =	sand.u32 $0x380, s26;
	s0 =	sor.u32 s1, s0  }
0xf9: {  	s31 =	sand.u32 $0x70, s24;
	s0 =	sor.u32 s20, s0  }
0xfa: {  	[tilespmem:v6+s17+$0x0] =	vst.idx.add.s32.msk vm0, v3;
	s0 =	sor.u32 s31, s0  }
0xfb: {  	v6 =	vld [tilespmem:s0+$0x0];
	_ =	sdelay $0x4  }
0xfc: {  	vm14 =	vlt.s32 v6, $0x0;
	v7 =	vxor.u32 $0x7FFFFFFF, v6  }
0xfd: {  	v6 =	vsel vm14, v7, v6  }
0xfe: {  	v7 =	vshra.s32 v6, $0x18  }
0xff: {  	v6 =	vshrl.u32 v6, $0xC;
	v7 =	vadd.s32 $0x80, v7  }
0x100: {  	vm15 =	veq.s32 v7, v5;
	v5 =	vand.u32 $0xFF0, v6  }
0x101: {  	v5 =	vor.u32 v1, v5;
	_ =	sdelay $0x4  }
0x102: {  	[tilespmem:v5+s17+$0x0] =	vst.idx.add.s32.msk vm15, v3  }
0x103: {  	[spmem:s6] =	stream.linear.scatter [tilespmem:s17], [sflag:$0x1], $0x1000, $0x38;
	[tilespmem:$0x14200] =	vst v63  }
0x104: {  	_ =	swait.ge [sflag:s4], $0x1000  }
0x105: {  	[sflag:s4] =	ssyncset.done $0x0  }
0x106: {  	[sflag:s4] =	ssyncadd.s32 $0xFFFFF000  }
0x107: {  	[bflag:$0x0] =	sbarrier.arrive $0xFFFF  }
0x108: {  	[tilespmem:s18], [sflag:$0x1] =	stream.linear.gather [spmem:s7], $0x1000, $0x38;
	[tilespmem:$0x14200] =	vst v63  }
0x109: {  	_ =	swait.ge [sflag:s4], $0x1000  }
0x10a: {  	[sflag:s4] =	ssyncset.done $0x0  }
0x10b: {  	[sflag:s4] =	ssyncadd.s32 $0xFFFFF000  }
0x10c: {  	[tilespmem:s19], [sflag:$0x1] =	stream.linear.gather [spmem:s10], $0x1000, $0x38;
	[tilespmem:$0x14200] =	vst v63  }
0x10d: {  	_ =	swait.ge [sflag:s4], $0x1000  }
0x10e: {  	[sflag:s4] =	ssyncset.done $0x0  }
0x10f: {  	s0 =	simm.s32 $0x0;
	[sflag:s4] =	ssyncadd.s32 $0xFFFFF000  }
0x110: {  	s1 =	simm.s32 $0x40;
	v5 =	vld [tilespmem:s0+$0x12000]  }
.LBB2_26:
0x111: {  	p0 =	sne.s32 s1, $0x3FC0;
	v6 =	vld [tilespmem:s0+$0x11000];
	_ =	sdelay $0x1  }
.Ltmp12:
0x112: {  	(pc) =	sbr.rel @p0 .LBB2_26-.Ltmp12, $3  }
0x113: {  	_ =	sdelay $0x1  }
0x114: {  	s20 =	sshra.s32 s1, $0x2;
	v6 =	vadd.s32 v6, v5  }
0x115: {  	s1 =	sadd.s32 $0x40, s1;
	v5 =	vld [tilespmem:s20+$0x12000];
	[tilespmem:s0+$0x11000] =	vst v6;
	s0 =	smov.u32 s20  }
0x116: {  	v6 =	vld [tilespmem:s0+$0x11000];
	_ =	sdelay $0x4  }
0x117: {  	v5 =	vadd.s32 v6, v5  }
0x118: {  	[tilespmem:s0+$0x11000] =	vst v5  }
0x119: {  	[tilespmem:s19], [sflag:$0x1] =	stream.linear.gather [spmem:s11], $0x1000, $0x38;
	[tilespmem:$0x14200] =	vst v63  }
0x11a: {  	_ =	swait.ge [sflag:s4], $0x1000  }
0x11b: {  	[sflag:s4] =	ssyncset.done $0x0  }
0x11c: {  	s0 =	simm.s32 $0x0;
	[sflag:s4] =	ssyncadd.s32 $0xFFFFF000  }
0x11d: {  	s1 =	simm.s32 $0x40;
	v5 =	vld [tilespmem:s0+$0x12000]  }
.LBB2_28:
0x11e: {  	p0 =	sne.s32 s1, $0x3FC0;
	v6 =	vld [tilespmem:s0+$0x11000];
	_ =	sdelay $0x1  }
.Ltmp13:
0x11f: {  	(pc) =	sbr.rel @p0 .LBB2_28-.Ltmp13, $3  }
0x120: {  	_ =	sdelay $0x1  }
0x121: {  	s20 =	sshra.s32 s1, $0x2;
	v6 =	vadd.s32 v6, v5  }
0x122: {  	s1 =	sadd.s32 $0x40, s1;
	v5 =	vld [tilespmem:s20+$0x12000];
	[tilespmem:s0+$0x11000] =	vst v6;
	s0 =	smov.u32 s20  }
0x123: {  	v6 =	vld [tilespmem:s0+$0x11000];
	_ =	sdelay $0x4  }
0x124: {  	v5 =	vadd.s32 v6, v5  }
0x125: {  	[tilespmem:s0+$0x11000] =	vst v5  }
0x126: {  	[tilespmem:s19], [sflag:$0x1] =	stream.linear.gather [spmem:s12], $0x1000, $0x38;
	[tilespmem:$0x14200] =	vst v63  }
0x127: {  	_ =	swait.ge [sflag:s4], $0x1000  }
0x128: {  	[sflag:s4] =	ssyncset.done $0x0  }
0x129: {  	s0 =	simm.s32 $0x0;
	[sflag:s4] =	ssyncadd.s32 $0xFFFFF000  }
0x12a: {  	s1 =	simm.s32 $0x40;
	v5 =	vld [tilespmem:s0+$0x12000]  }
.LBB2_30:
0x12b: {  	p0 =	sne.s32 s1, $0x3FC0;
	v6 =	vld [tilespmem:s0+$0x11000];
	_ =	sdelay $0x1  }
.Ltmp14:
0x12c: {  	(pc) =	sbr.rel @p0 .LBB2_30-.Ltmp14, $3  }
0x12d: {  	_ =	sdelay $0x1  }
0x12e: {  	s20 =	sshra.s32 s1, $0x2;
	v6 =	vadd.s32 v6, v5  }
0x12f: {  	s1 =	sadd.s32 $0x40, s1;
	v5 =	vld [tilespmem:s20+$0x12000];
	[tilespmem:s0+$0x11000] =	vst v6;
	s0 =	smov.u32 s20  }
0x130: {  	v6 =	vld [tilespmem:s0+$0x11000];
	_ =	sdelay $0x4  }
0x131: {  	v5 =	vadd.s32 v6, v5  }
0x132: {  	[tilespmem:s0+$0x11000] =	vst v5  }
0x133: {  	[tilespmem:s19], [sflag:$0x1] =	stream.linear.gather [spmem:s13], $0x1000, $0x38;
	[tilespmem:$0x14200] =	vst v63  }
0x134: {  	_ =	swait.ge [sflag:s4], $0x1000  }
0x135: {  	[sflag:s4] =	ssyncset.done $0x0  }
0x136: {  	s0 =	simm.s32 $0x0;
	[sflag:s4] =	ssyncadd.s32 $0xFFFFF000  }
0x137: {  	s1 =	simm.s32 $0x40;
	v5 =	vld [tilespmem:s0+$0x12000]  }
.LBB2_32:
0x138: {  	p0 =	sne.s32 s1, $0x3FC0;
	v6 =	vld [tilespmem:s0+$0x11000];
	_ =	sdelay $0x1  }
.Ltmp15:
0x139: {  	(pc) =	sbr.rel @p0 .LBB2_32-.Ltmp15, $3  }
0x13a: {  	_ =	sdelay $0x1  }
0x13b: {  	s20 =	sshra.s32 s1, $0x2;
	v6 =	vadd.s32 v6, v5  }
0x13c: {  	s1 =	sadd.s32 $0x40, s1;
	v5 =	vld [tilespmem:s20+$0x12000];
	[tilespmem:s0+$0x11000] =	vst v6;
	s0 =	smov.u32 s20  }
0x13d: {  	v6 =	vld [tilespmem:s0+$0x11000];
	_ =	sdelay $0x4  }
0x13e: {  	v5 =	vadd.s32 v6, v5  }
0x13f: {  	[tilespmem:s0+$0x11000] =	vst v5  }
0x140: {  	[tilespmem:s19], [sflag:$0x1] =	stream.linear.gather [spmem:s14], $0x1000, $0x38;
	[tilespmem:$0x14200] =	vst v63  }
0x141: {  	_ =	swait.ge [sflag:s4], $0x1000  }
0x142: {  	[sflag:s4] =	ssyncset.done $0x0  }
0x143: {  	s0 =	simm.s32 $0x0;
	[sflag:s4] =	ssyncadd.s32 $0xFFFFF000  }
0x144: {  	s1 =	simm.s32 $0x40;
	v5 =	vld [tilespmem:s0+$0x12000]  }
.LBB2_34:
0x145: {  	p0 =	sne.s32 s1, $0x3FC0;
	v6 =	vld [tilespmem:s0+$0x11000];
	_ =	sdelay $0x1  }
.Ltmp16:
0x146: {  	(pc) =	sbr.rel @p0 .LBB2_34-.Ltmp16, $3  }
0x147: {  	_ =	sdelay $0x1  }
0x148: {  	s20 =	sshra.s32 s1, $0x2;
	v6 =	vadd.s32 v6, v5  }
0x149: {  	s1 =	sadd.s32 $0x40, s1;
	v5 =	vld [tilespmem:s20+$0x12000];
	[tilespmem:s0+$0x11000] =	vst v6;
	s0 =	smov.u32 s20  }
0x14a: {  	v6 =	vld [tilespmem:s0+$0x11000];
	_ =	sdelay $0x4  }
0x14b: {  	v5 =	vadd.s32 v6, v5  }
0x14c: {  	[tilespmem:s0+$0x11000] =	vst v5  }
0x14d: {  	[tilespmem:s19], [sflag:$0x1] =	stream.linear.gather [spmem:s15], $0x1000, $0x38;
	[tilespmem:$0x14200] =	vst v63  }
0x14e: {  	_ =	swait.ge [sflag:s4], $0x1000  }
0x14f: {  	[sflag:s4] =	ssyncset.done $0x0  }
0x150: {  	s0 =	simm.s32 $0x0;
	[sflag:s4] =	ssyncadd.s32 $0xFFFFF000  }
0x151: {  	s1 =	simm.s32 $0x40;
	v5 =	vld [tilespmem:s0+$0x12000]  }
.LBB2_36:
0x152: {  	p0 =	sne.s32 s1, $0x3FC0;
	v6 =	vld [tilespmem:s0+$0x11000];
	_ =	sdelay $0x1  }
.Ltmp17:
0x153: {  	(pc) =	sbr.rel @p0 .LBB2_36-.Ltmp17, $3  }
0x154: {  	_ =	sdelay $0x1  }
0x155: {  	s20 =	sshra.s32 s1, $0x2;
	v6 =	vadd.s32 v6, v5  }
0x156: {  	s1 =	sadd.s32 $0x40, s1;
	v5 =	vld [tilespmem:s20+$0x12000];
	[tilespmem:s0+$0x11000] =	vst v6;
	s0 =	smov.u32 s20  }
0x157: {  	v6 =	vld [tilespmem:s0+$0x11000];
	_ =	sdelay $0x4  }
0x158: {  	v5 =	vadd.s32 v6, v5  }
0x159: {  	[tilespmem:s0+$0x11000] =	vst v5  }
0x15a: {  	[tilespmem:s19], [sflag:$0x1] =	stream.linear.gather [spmem:s16], $0x1000, $0x38;
	[tilespmem:$0x14200] =	vst v63  }
0x15b: {  	_ =	swait.ge [sflag:s4], $0x1000  }
0x15c: {  	[sflag:s4] =	ssyncset.done $0x0  }
0x15d: {  	s0 =	simm.s32 $0x0;
	[sflag:s4] =	ssyncadd.s32 $0xFFFFF000  }
0x15e: {  	s1 =	simm.s32 $0x40;
	v5 =	vld [tilespmem:s0+$0x12000]  }
.LBB2_38:
0x15f: {  	p0 =	sne.s32 s1, $0x3FC0;
	v6 =	vld [tilespmem:s0+$0x11000];
	_ =	sdelay $0x1  }
.Ltmp18:
0x160: {  	(pc) =	sbr.rel @p0 .LBB2_38-.Ltmp18, $3  }
0x161: {  	_ =	sdelay $0x1  }
0x162: {  	s20 =	sshra.s32 s1, $0x2;
	v6 =	vadd.s32 v6, v5  }
0x163: {  	s1 =	sadd.s32 $0x40, s1;
	v5 =	vld [tilespmem:s20+$0x12000];
	[tilespmem:s0+$0x11000] =	vst v6;
	s0 =	smov.u32 s20  }
0x164: {  	v6 =	vld [tilespmem:s0+$0x11000];
	_ =	sdelay $0x4  }
0x165: {  	v5 =	vadd.s32 v6, v5  }
0x166: {  	s26 =	simm.s32 $0x11FF0;
	[tilespmem:s0+$0x11000] =	vst v5  }
0x167: {  	s1 =	simm.s32 $0x11FE0;
	v5 =	vld [tilespmem:s26+$0x0]  }
0x168: {  	v6 =	vld [tilespmem:s1+$0x0];
	_ =	sdelay $0x3  }
0x169: {  	(xrf0) =	vadd.scan.msk.s32 $0xffff, v5  }
0x16a: {  	(xrf0) =	vadd.scan.msk.s32 $0xffff, v6;
	_ =	sdelay $0x4  }
0x16b: {  	v5, _, _ =	vpop (xrf0)  }
0x16c: {  	s20 =	simm.s32 $0x11FD0;
	(v2sf) =	vpush v5, $0xF;
	v5, _, _ =	vpop (xrf0)  }
0x16d: {  	(v2sf) =	vpush v5, $0xF;
	v5 =	vld [tilespmem:s20+$0x0]  }
0x16e: {  	s24 =	simm.s32 $0x11FC0  }
0x16f: {  	v6 =	vld [tilespmem:s24+$0x0];
	_ =	sdelay $0x2  }
0x170: {  	(xrf0) =	vadd.scan.msk.s32 $0xffff, v5;
	_ =	sdelay $0x1  }
0x171: {  	(xrf0) =	vadd.scan.msk.s32 $0xffff, v6;
	_ =	sdelay $0x1  }
0x172: {  	s25 =	simm.s32 $0x11FB0  }
0x173: {  	v7 =	vld [tilespmem:s25+$0x0]  }
0x174: {  	v6, _, _ =	vpop (xrf0)  }
0x175: {  	(v2sf) =	vpush v6, $0xF  }
0x176: {  	v6, _, _ =	vpop (xrf0)  }
0x177: {  	s20 =	spop (v2sf);
	(v2sf) =	vpush v6, $0xF  }
0x178: {  	s26 =	simm.s32 $0x11FA0;
	(xrf0) =	vadd.scan.msk.s32 $0xffff, v7  }
0x179: {  	s29 =	simm.s32 $0xFE;
	v5 =	vld [tilespmem:s26+$0x0]  }
0x17a: {  	s28 =	simm.s32 $0xFD;
	s31 =	simm.s32 $0xFFFFFFFF;
	s0 =	simm.s32 $0x11F90  }
0x17b: {  	s1 =	simm.s32 $0xFF;
	s25 =	simm.s32 $0xFC;
	s20 =	sadd.s32 s23, s20  }
0x17c: {  	s24 =	simm.s32 $0xFFFFFFFF;
	s26 =	simm.s32 $0xFB;
	p0 =	sgt.s32 s20, $0xFF  }
0x17d: {  	s23 =	simm.s32 $0xFA;
	s31 =	smov.u32 @p0 s1;
	s1 =	spop (v2sf)  }
0x17e: {  	(xrf0) =	vadd.scan.msk.s32 $0xffff, v5;
	v5, _, _ =	vpop (xrf0);
	p0 =	por $0x1, $0x1;
	s30 =	sadd.s32 s20, s1;
	s1 =	simm.s32 $0xF9  }
.LBB2_40:
0x17f: {  	s24 =	smov.u32 @p0 s31  }
0x180: {  	p1 =	sgt.s32 s30, $0xFF;
	s31 =	smov.u32 s24  }
0x181: {  	v6 =	vld [tilespmem:s0+$0x0];
	(v2sf) =	vpush v5, $0xF;
	s31 =	smov.u32 @p1 s29;
	p1 =	sne.s32 s1, $0x0  }
.Ltmp19:
0x182: {  	s29 =	smov.u32 s28;
	(pc) =	sbr.rel @p1 .LBB2_40-.Ltmp19, $4  }
0x183: {  	s28 =	smov.u32 s25;
	s25 =	smov.u32 s26;
	s26 =	smov.u32 s23  }
0x184: {  	s23 =	smov.u32 s1;
	s20 =	spop (v2sf)  }
0x185: {  	s0 =	sadd.s32 $0xFFFFFFF0, s0;
	s30 =	sadd.s32 s30, s20  }
0x186: {  	p0 =	slt.s32 s24, $0x0;
	s1 =	sadd.s32 $0xFFFFFFFF, s1;
	(xrf0) =	vadd.scan.msk.s32 $0xffff, v6;
	v5, _, _ =	vpop (xrf0)  }
0x187: {  	[tilespmem:$0x13000] =	vst v4  }
0x188: {  	[tilespmem:$0x13010] =	vst v4  }
0x189: {  	[tilespmem:$0x13020] =	vst v4  }
0x18a: {  	[tilespmem:$0x13030] =	vst v4  }
0x18b: {  	[tilespmem:$0x13040] =	vst v4  }
0x18c: {  	[tilespmem:$0x13050] =	vst v4  }
0x18d: {  	[tilespmem:$0x13060] =	vst v4  }
0x18e: {  	[tilespmem:$0x13070] =	vst v4  }
0x18f: {  	[tilespmem:$0x13080] =	vst v4  }
0x190: {  	[tilespmem:$0x13090] =	vst v4  }
0x191: {  	(v2sf) =	vpush v5, $0xF;
	[tilespmem:$0x130A0] =	vst v4  }
0x192: {  	[tilespmem:$0x130B0] =	vst v4  }
0x193: {  	[tilespmem:$0x130C0] =	vst v4  }
0x194: {  	[tilespmem:$0x130D0] =	vst v4  }
0x195: {  	[tilespmem:$0x130E0] =	vst v4;
	v5, _, _ =	vpop (xrf0)  }
0x196: {  	[tilespmem:$0x130F0] =	vst v4;
	(v2sf) =	vpush v5, $0xF  }
0x197: {  	[tilespmem:$0x13100] =	vst v4  }
0x198: {  	s24 =	smov.u32 @p0 s31;
	[tilespmem:$0x13110] =	vst v4  }
0x199: {  	p0 =	sgt.s32 s30, $0xFF;
	[tilespmem:$0x13120] =	vst v4;
	s0 =	smov.u32 s24  }
0x19a: {  	s1 =	spop (v2sf);
	[tilespmem:$0x13130] =	vst v4;
	s0 =	smov.u32 @p0 s29;
	p0 =	slt.s32 s24, $0x0  }
0x19b: {  	[tilespmem:$0x13140] =	vst v4;
	s1 =	sadd.s32 s30, s1;
	s24 =	smov.u32 @p0 s0  }
0x19c: {  	[tilespmem:$0x13150] =	vst v4;
	p0 =	sgt.s32 s1, $0xFF;
	s0 =	smov.u32 s24  }
0x19d: {  	[tilespmem:$0x13160] =	vst v4;
	s0 =	smov.u32 @p0 s28;
	p0 =	slt.s32 s24, $0x0;
	s20 =	spop (v2sf)  }
0x19e: {  	[tilespmem:$0x13170] =	vst v4;
	s24 =	smov.u32 @p0 s0;
	s1 =	sadd.s32 s1, s20  }
0x19f: {  	[tilespmem:$0x13180] =	vst v4;
	s0 =	smov.u32 s24;
	p0 =	sgt.s32 s1, $0xFF  }
0x1a0: {  	[tilespmem:$0x13190] =	vst v4;
	s0 =	smov.u32 @p0 s25;
	p0 =	slt.s32 s24, $0x0;
	s25 =	spop (v2sf)  }
0x1a1: {  	[tilespmem:$0x131A0] =	vst v4;
	s24 =	smov.u32 @p0 s0;
	s1 =	sadd.s32 s1, s25  }
0x1a2: {  	[tilespmem:$0x131B0] =	vst v4;
	s0 =	smov.u32 s24;
	s25 =	simm.s32 $0x0;
	p0 =	sgt.s32 s1, $0xFF  }
0x1a3: {  	[tilespmem:$0x131C0] =	vst v4;
	s29 =	sand.u32 $0xC000, s25;
	s30 =	sand.u32 $0x3C00, s25;
	s31 =	sand.u32 $0x380, s25  }
0x1a4: {  	[tilespmem:$0x131D0] =	vst v4;
	s0 =	smov.u32 @p0 s26;
	s20 =	sor.u32 s30, s29;
	p0 =	slt.s32 s24, $0x0  }
0x1a5: {  	[tilespmem:$0x131E0] =	vst v4;
	s29 =	sand.u32 $0x70, s25;
	s20 =	sor.u32 s31, s20;
	s28 =	spop (v2sf)  }
0x1a6: {  	[tilespmem:$0x131F0] =	vst v4;
	s24 =	smov.u32 @p0 s0;
	s30 =	sor.u32 s29, s20;
	s1 =	sadd.s32 s1, s28  }
0x1a7: {  	v6 =	vld [tilespmem:s30+$0x0];
	p0 =	sgt.s32 s1, $0xFF;
	s1 =	smov.u32 s24  }
0x1a8: {  	s1 =	smov.u32 @p0 s23;
	p0 =	slt.s32 s24, $0x0  }
0x1a9: {  	s24 =	smov.u32 @p0 s1  }
0x1aa: {  	s31 =	sshll.u32 s22, $0x18;
	s1 =	sshll.u32 s24, $0x10  }
0x1ab: {  	s0 =	sadd.s32 s31, s1  }
0x1ac: {  	vm0 =	vlt.s32 v6, $0x0;
	v7 =	vxor.u32 $0x7FFFFFFF, v6;
	s0 =	sadd.s32 $0x80000000, s0  }
0x1ad: {  	v6 =	vsel vm0, v7, v6;
	v5 =	vmov s0  }
0x1ae: {  	vm0 =	vge.s32 v6, v5  }
0x1af: {  	v7 =	vsel vm0, $0x1, v0  }
0x1b0: {  	(xrf0) =	vadd.scan.msk.s32 $0xffff, v7;
	_ =	sdelay $0x5  }
0x1b1: {  	v7, _, _ =	vpop (xrf0)  }
0x1b2: {  	(v2sf) =	vpush v7, $0xF;
	_ =	sdelay $0xb  }
0x1b3: {  	s26 =	simm.s32 $0x0;
	s22 =	simm.s32 $0x0  }
0x1b4: {  	s28 =	simm.s32 $0x0;
	s23 =	simm.s32 $0x1;
	s24 =	simm.s32 $0x10  }
.LBB2_42:
0x1b5: {  	s0 =	sand.u32 $0xC000, s24;
	s1 =	sand.u32 $0x380, s23;
	s25 =	sadd.s32 $0x80, s25  }
0x1b6: {  	p0 =	sgt.s32 s26, $0x1F0;
	p1 =	slt.s32 s26, $0x1F1;
	s20 =	spop (v2sf)  }
0x1b7: {  	s29 =	sand.u32 $0x3C00, s25;
	p2 =	slt.s32 @!p0 s20, $0x1;
	s20 =	simm.s32 @!p1 $0x0  }
0x1b8: {  	s23 =	sadd.s32 $0x1, s23;
	p1 =	por p2, p0;
	s26 =	sadd.s32 s26, s20  }
0x1b9: {  	s0 =	sor.u32 s29, s0;
	p0 =	sne.s32 s23, $0x1000;
	s20 =	sadd.s32 @!p1 s28, s3;
	v7 =	vlaneseq.u32 @!p1  }
0x1ba: {  	s29 =	sand.u32 $0x70, s24;
	s0 =	sor.u32 s1, s0;
	vm0 =	vge.s32 @!p1 v6, v5;
	s28 =	smov.u32 s24;
	v6 =	vor.u32 @!p1 s20, v7  }
0x1bb: {  	s0 =	sor.u32 s29, s0;
	[tilespmem:s22+$0x13000] =	vst.msk @!p1 vm0, v6;
	s22 =	smov.u32 s26  }
0x1bc: {  	v6 =	vld [tilespmem:s0+$0x0];
	_ =	sdelay $0x4  }
0x1bd: {  	vm0 =	vlt.s32 v6, $0x0;
	v7 =	vxor.u32 $0x7FFFFFFF, v6  }
0x1be: {  	v6 =	vsel vm0, v7, v6  }
0x1bf: {  	vm0 =	vge.s32 v6, v5  }
0x1c0: {  	v7 =	vsel vm0, $0x1, v0  }
0x1c1: {  	(xrf0) =	vadd.scan.msk.s32 $0xffff, v7;
	_ =	sdelay $0x5  }
0x1c2: {  	v7, _, _ =	vpop (xrf0)  }
0x1c3: {  	(v2sf) =	vpush v7, $0xF;
	_ =	sdelay $0x8  }
.Ltmp20:
0x1c4: {  	(pc) =	sbr.rel @p0 .LBB2_42-.Ltmp20, $2  }
0x1c5: {  	_ =	sdelay $0x2  }
0x1c6: {  	s24 =	sadd.s32 $0x10, s24  }
0x1c7: {  	_ = 	snop  }
0x1c8: {  	p0 =	sgt.s32 s26, $0x1F0;
	s0 =	spop (v2sf)  }
0x1c9: {  	p1 =	slt.s32 @!p0 s0, $0x1  }
0x1ca: {  	p0 =	por p1, p0  }
0x1cb: {  	s0 =	sadd.s32 @!p0 s28, s3;
	v7 =	vlaneseq.u32 @!p0  }
0x1cc: {  	s21 =	sadd.s32 $0x1, s21;
	vm0 =	vge.s32 @!p0 v6, v5;
	v5 =	vor.u32 @!p0 s0, v7  }
0x1cd: {  	[tilespmem:s22+$0x13000] =	vst.msk @!p0 vm0, v5;
	p0 =	sne.s32 s21, s9  }
.Ltmp21:
0x1ce: {  	s31 =	simm.s32 $0x13000;
	(pc) =	sbr.rel @p0 .LBB2_1-.Ltmp21, $4  }
0x1cf: {  	[hbm4b:s8+s2] =	stream.linear.scatter [tilespmem:s31], [sflag:$0x1], $0x200, $0x38;
	[tilespmem:$0x14200] =	vst v63  }
0x1d0: {  	_ =	swait.ge [sflag:s4], $0x200  }
0x1d1: {  	[sflag:s4] =	ssyncset.done $0x0  }
0x1d2: {  	[sflag:s4] =	ssyncadd.s32 $0xFFFFFE00  }
0x1d3: {  	_ =	sfence.sel $0x180000  }
0x1d4: {  	[bflag:$0x0] =	sbarrier.arrive $0xFFFF  }
0x1d5: {  	_ =	strace $0x90000047  }
0x1d6: {  	s0 =	stileid.u32;
	[bflag:$0x2] =	sbarrier.arrive $0xFFFF  }
0x1d7: {  	p0 =	sne.s32 s0, $0x0;
	s0 =	rddreg [dreg:$0x3]  }
0x1d8: {  	s0 =	sadd.s32 @!p0 $0x100000, s0  }
0x1d9: {  	[sflag:s0] =	ssyncadd.tile.s32 @!p0 $0x1;
	_ =	shalt  }
.Lfunc_end2:
_tile_overlayer_lowered:
.L_overlay_start_2:
0x1da: {  	(tag) =	ssettag $0x2  }
0x1db: {  	s0 =	rddreg [dreg:$0x0];
	s2 =	stileid.u32  }
0x1dc: {  	s1 =	rddreg [dreg:$0x1];
	p0 =	sne.s32 s2, $0x0  }
0x1dd: {  	s3 =	rddreg [dreg:$0x2];
	[bflag:$0x3] =	sbarrier.arrive $0xFFFF;
	s2 =	simm.s32 @!p0 $0x1C01  }
0x1de: {  	[timem:s3], [sflag:s2] =	dma.local @!p0 [hbm:s0], s1  }
0x1df: {  	s0 =	simm.s32 @!p0 $0x1  }
0x1e0: {  	_ =	swait.ge @!p0 [sflag:s0], s1  }
0x1e1: {  	s1 =	ssub.s32 @!p0 $0x0, s1;
	[sflag:s0] =	ssyncset.done @!p0 $0x0  }
0x1e2: {  	[sflag:s0] =	ssyncadd.s32 @!p0 s1  }
0x1e3: {  	[bflag:$0x3] =	sbarrier.arrive $0xFFFF  }
0x1e4: {  	_ =	shalt  }

// kernel: sparse-core-data-format-call.cloned.1.call-start
scs
called_computation_lowered:
.L_overlay_start_0:
0x0: {  	s2 =	sld [smem:$0x3FD9]  }
0x1: {  	s3 =	sld [smem:$0x3FFE];
	_ =	sdelay $0x1  }
0x2: {  	s1 =	srdreg.scid  }
0x3: {  	s0 =	sand.u32 $0x1, s1  }
0x4: {  	s18 =	sshll.u32 s0, $0xA;
	s2 =	sadd.s32 s3, s2  }
0x5: {  	s2 =	sadd.s32 s2, s18  }
0x6: {  	[smem:$0x3FC3] =	sst s2  }
0x7: {  	_ = 	snop  }
0x8: {  	(tm) =	ssettm $0x1  }
0x9: {  	s19 =	sld [smem:$0x3FFB];
	_ =	sdelay $0x3  }
0xa: {  	_ =	strace s19  }
0xb: {  	s2 =	sld [smem:$0x3FFC];
	_ =	sdelay $0x3  }
0xc: {  	_ =	strace s2  }
0xd: {  	s2 =	sld [smem:$0x3FFD];
	_ =	sdelay $0x3  }
0xe: {  	_ =	strace s2  }
0xf: {  	_ =	strace $0x8FFFFFFF  }
0x10: {  	s20 =	sld [smem:$0x3FDB];
	_ =	sdelay $0x1  }
0x11: {  	s21 =	simm.s32 $_scs_section_size  }
0x12: {  	s4 =	simm.s32 $_size__tile_overlayer_lowered;
	s5 =	simm.s32 $_tile_overlayer_lowered  }
0x13: {  	s6 =	simm.s32 $0x1BFF;
	s22 =	sshll.u32 s5, $0x1;
	s3 =	sadd.s32 s21, s20  }
0x14: {  	s23 =	simm.s32 $0x0;
	s4 =	sshll.u32 s4, $0x1;
	s5 =	sadd.s32 s22, s3  }
0x15: {  	[timem:s23], [sflag:s6] =	dma.local [hbm:s5], s4  }
0x16: {  	_ =	swait.ge [sflag:s6], s4  }
0x17: {  	s4 =	ssub.s32 $0x0, s4;
	[sflag:s6] =	ssyncset.done $0x0  }
0x18: {  	[sflag:s6] =	ssyncadd.s32 s4;
	_ =	sdelay $0x1  }
0x19: {  	s24 =	simm.s32 $0x1B8B  }
0x1a: {  	_ =	swait.ge [sflag:s24], $0x1  }
0x1b: {  	[sflag:s24] =	ssyncset.done $0x0  }
0x1c: {  	[sflag:s24] =	ssyncadd.s32 $0xFFFFFFFF  }
0x1d: {  	s4 =	sld [smem:$0x0]  }
0x1e: {  	s5 =	sand.u32 $0xFFFFFFFE, s1  }
0x1f: {  	p0 =	sne.s32 s1, s5  }
0x20: {  	s5 =	sshll.u32 @p0 s5, $0xE  }
0x21: {  	s5 =	sadd.s32 @p0 $0x11B8D, s5;
	s6 =	sshll.u32 @p0 s4, $0x11  }
0x22: {  	s5 =	sor.u32 @p0 s6, s5  }
0x23: {  	[sflag:s5] =	ssyncadd.remote.s32 @p0 $0x1;
	_ =	sdelay $0x1  }
0x24: {  	s5 =	simm.s32 @p0 $0x1B8D  }
0x25: {  	_ =	swait.eq @p0 [sflag:s5], $0x1  }
0x26: {  	[sflag:s5] =	ssyncadd.s32 @p0 $0xFFFFFFFF  }
0x27: {  	s6 =	sshll.u32 @!p0 s1, $0xE  }
0x28: {  	s6 =	sor.u32 @!p0 $0x4000, s6;
	s5 =	simm.s32 @!p0 $0x1B8D  }
0x29: {  	s4 =	sshll.u32 @!p0 s4, $0x11;
	s6 =	sadd.s32 @!p0 $0x11B8D, s6;
	_ =	swait.eq @!p0 [sflag:s5], $0x1  }
0x2a: {  	s4 =	sor.u32 @!p0 s4, s6;
	[sflag:s5] =	ssyncadd.s32 @!p0 $0xFFFFFFFF  }
0x2b: {  	s26 =	simm.s32 $0x1B8E;
	s25 =	sld [smem:$0x3FFE];
	[sflag:s4] =	ssyncadd.remote.s32 @!p0 $0x1  }
0x2c: {  	s27 =	simm.s32 $execute0_lowered;
	[smem:$0x3FD2] =	sst s26  }
0x2d: {  	s5 =	sshll.u32 s27, $0x1;
	_ =	strace $0x80000049;
	[dreg:$0x1] =	wrdreg $0xFFFFFFFF  }
0x2e: {  	s28 =	simm.s32 $_size_execute0_lowered;
	s3 =	sadd.s32 s3, s5;
	[dreg:$0x0] =	wrdreg $0x0  }
0x2f: {  	s5 =	sshll.u32 s28, $0x1;
	[dreg:$0x2] =	wrdreg s3  }
0x30: {  	[dreg:$0x3] =	wrdreg s5  }
0x31: {  	[dreg:$0x4] =	wrdreg $0xC0  }
0x32: {  	_ =	task [dreg:s23], $0x5FFFF  }
0x33: {  	[dreg:$0x1] =	wrdreg $0xFFFFFFFF  }
0x34: {  	[dreg:$0x0] =	wrdreg $0x60  }
0x35: {  	[dreg:$0x2] =	wrdreg s25  }
0x36: {  	[dreg:$0x3] =	wrdreg $0x9  }
0x37: {  	_ =	task.clear_ibuf [dreg:s23], $0x4FFFF;
	_ =	strace $0x90000049  }
0x38: {  	s29 =	simm.s32 $0x9;
	_ =	strace $0x8000004B  }
0x39: {  	_ =	swait.ge [sflag:s29], $0x1  }
0x3a: {  	[sflag:s29] =	ssyncadd.s32 $0xFFFFFFFF  }
0x3b: {  	_ =	strace $0x9000004B  }
0x3c: {  	_ =	sfence  }
0x3d: {  	s30 =	sld [smem:$0x0];
	_ =	sdelay $0x2  }
0x3e: {  	s31 =	sshll.u32 s1, $0xD;
	s1 =	sshrl.u32 s1, $0x2  }
0x3f: {  	s4 =	sand.u32 $0x4000, s31;
	s1 =	sadd.s32 s1, s30  }
0x40: {  	s0 =	sor.u32 s4, s0;
	s1 =	sshll.u32 s1, $0x11  }
0x41: {  	s0 =	sor.u32 s1, s0  }
0x42: {  	s0 =	sadd.s32 $0x8F2B, s0  }
0x43: {  	[sflag:s0] =	ssyncadd.remote.s32 $0x1  }
0x44: {  	_ =	sfence.sel $0xFFFF  }
0x45: {  	[dreg:$0x0] =	wrdreg $0xFFFFFFFF;
	(pc) =	sbr.abs _section_cstart, $3  }
0x46: {  	[dreg:$0x1] =	wrdreg $0xFFFFFFFF  }
0x47: {  	_ =	task.clear_ibuf [dreg:s23], $0x2FFFF;
	_ =	strace $0x9FFFFFFF  }
0x48: {  	(tm) =	ssettm $0x7FFFFFFF  }
0x49: {  	_ =	shalt  }
tec
execute0_lowered:
.L_overlay_start_1:
0x0: {  	(tag) =	ssettag $0x1  }
0x1: {  	s0 =	stileid.u32  }
0x2: {  	s1 =	srdreg.scid;
	s3 =	rddreg [dreg:$0x0];
	s7 =	simm.s32 $0x1  }
0x3: {  	s6 =	simm.s32 $0x1;
	s2 =	sshll.u32 s0, $0x5;
	s1 =	sshll.u32 s1, $0x9  }
0x4: {  	s31 =	simm.s32 $0x2;
	s15 =	simm.s32 $0x0;
	s1 =	sor.u32 s2, s1  }
0x5: {  	s9 =	simm.s32 $0x2000;
	s10 =	simm.s32 $0x0;
	s2 =	sand.u32 $0x380, s1  }
0x6: {  	s16 =	simm.s32 $0x0;
	s17 =	simm.s32 $0x0;
	s5 =	ssub.s32 $0x1000, s2  }
0x7: {  	s11 =	simm.s32 $0x0;
	s14 =	simm.s32 $0x0;
	s4 =	sand.u32 $0x380, s5  }
.Ltmp0:
0x8: {  	s1 =	rddreg [dreg:$0x1];
	p0 =	sne.s32 s4, $0x0;
	(pc) =	sbr.rel .LBB1_1-.Ltmp0, $4  }
0x9: {  	_ =	strace $0x8000004A;
	s8 =	sshrl.u32 s5, $0xA;
	s7 =	simm.s32 @!p0 $0x0  }
0xa: {  	[sflag:s6] =	ssyncpa.u1 $0x0;
	s12 =	smov.u32 s2;
	s7 =	sadd.s32 s7, s8  }
0xb: {  	s5 =	sand.u32 $0x3, s0;
	[sflag:s31] =	ssyncpa.u1 $0x0;
	s7 =	sshll.u32 s7, $0x4  }
0xc: {  	s4 =	sadd.s32 $0x400800, s3;
	s13 =	smov.u32 s5;
	s8 =	sor.u32 $0x1, s7  }
.LBB1_4:
0xd: {  	_ =	sdelay $0x3  }
0xe: {  	[tilespmem:v0+s20+$0xFFFFFFA0 ss:$0x1] =	vst.idx.msk $0xffff, v6  }
0xf: {  	v56 =	vld.idx.msk [tilespmem:v1+s19+$0x30 ss:$0x1], $0xffff;
	[tilespmem:v0+s20+$0xFFFFFFB0 ss:$0x1] =	vst.idx.msk $0xffff, v4  }
0x10: {  	v57 =	vld.idx.msk [tilespmem:v1+s19+$0xFFFFFFC0 ss:$0x1], $0xffff;
	[tilespmem:v0+s20+$0xFFFFFFC0 ss:$0x1] =	vst.idx.msk $0xffff, v2  }
0x11: {  	v58 =	vld.idx.msk [tilespmem:v1+s19+$0xFFFFFFD0 ss:$0x1], $0xffff;
	[tilespmem:v0+s20+$0xFFFFFFD0 ss:$0x1] =	vst.idx.msk $0xffff, v3  }
0x12: {  	v59 =	vld.idx.msk [tilespmem:v1+s19+$0xFFFFFFE0 ss:$0x1], $0xffff;
	[tilespmem:v0+s20+$0xFFFFFFE0 ss:$0x1] =	vst.idx.msk $0xffff, v5  }
0x13: {  	v60 =	vld.idx.msk [tilespmem:v1+s19+$0xFFFFFFF0 ss:$0x1], $0xffff;
	[tilespmem:v0+s20+$0xFFFFFFF0 ss:$0x1] =	vst.idx.msk $0xffff, v7  }
0x14: {  	v61 =	vld.idx.msk [tilespmem:v1+s19+$0x0 ss:$0x1], $0xffff;
	[tilespmem:v0+s19+$0x0 ss:$0x1] =	vst.idx.msk $0xffff, v56  }
0x15: {  	v62 =	vld.idx.msk [tilespmem:v1+s19+$0x10 ss:$0x1], $0xffff;
	[tilespmem:v0+s19+$0xFFFFFF90 ss:$0x1] =	vst.idx.msk $0xffff, v57  }
0x16: {  	s17 =	sshll.u32 s17, $0x7;
	v63 =	vld.idx.msk [tilespmem:v1+s19+$0x20 ss:$0x1], $0xffff;
	s28 =	sand.u32 $0x78, s15;
	s21 =	sshll.u32 s15, $0x2;
	[tilespmem:v0+s19+$0xFFFFFFA0 ss:$0x1] =	vst.idx.msk $0xffff, v58  }
0x17: {  	s16 =	sshll.u32 s16, $0xA;
	s30 =	sshrl.u32 s15, $0x1;
	s17 =	sand.u32 $0x180, s17;
	[tilespmem:v0+s19+$0xFFFFFFB0 ss:$0x1] =	vst.idx.msk $0xffff, v59  }
0x18: {  	s31 =	sand.u32 $0x7, s15;
	s29 =	sand.u32 $0x600, s21;
	s17 =	sor.u32 s17, s28;
	[tilespmem:v0+s19+$0xFFFFFFC0 ss:$0x1] =	vst.idx.msk $0xffff, v60  }
0x19: {  	s20 =	sand.u32 $0x300, s30;
	s16 =	sadd.s32 s4, s16;
	s17 =	sor.u32 s29, s17;
	[tilespmem:v0+s19+$0xFFFFFFD0 ss:$0x1] =	vst.idx.msk $0xffff, v61  }
0x1a: {  	s15 =	sshll.u32 s31, $0x12;
	s16 =	sadd.s32 s20, s16;
	s17 =	sshrl.u32 s17, $0x3;
	[tilespmem:v0+s19+$0xFFFFFFE0 ss:$0x1] =	vst.idx.msk $0xffff, v62  }
0x1b: {  	s15 =	sor.u32 $0x80, s15;
	[tilespmem:v0+s19+$0xFFFFFFF0 ss:$0x1] =	vst.idx.msk $0xffff, v63;
	s16 =	sadd.s32 s17, s16  }
0x1c: {  	[hbm4b:s16+s15] =	stream.strided.scatter [tilespmem:s18], [sflag:$0x2], $0x4000, s9, s15, $0x38;
	[tilespmem:$0x10000] =	vst v63  }
.LBB1_5:
0x1d: {  	s18 =	sadd.s32 $0x80, s11  }
0x1e: {  	s15 =	sadd.s32 $0x400, s12;
	s19 =	smov.u32 s12;
	p1 =	sgt.s32 s18, $0x7FF  }
0x1f: {  	s19 =	smov.u32 @p1 s15  }
0x20: {  	s21 =	smov.u32 s13;
	s15 =	sadd.s32 $0x4, s13;
	p2 =	sgt.s32 s19, $0xFFF  }
0x21: {  	s21 =	smov.u32 @p2 s15  }
0x22: {  	s18 =	simm.s32 @p1 $0x0;
	p1 =	sgt.s32 s21, $0x3  }
0x23: {  	p0 =	slt.u32 s14, $0x2;
	s21 =	smov.u32 @p1 s5;
	p1 =	sne.s32 s14, s8  }
.Ltmp1:
0x24: {  	s20 =	simm.s32 @!p0 $0x2;
	(pc) =	sbr.rel @!p1 .LBB1_6-.Ltmp1, $4  }
0x25: {  	s16 =	smov.u32 s12;
	s17 =	smov.u32 s13;
	_ =	swait.ge @!p0 [sflag:s20], $0x4000  }
0x26: {  	s10 =	sadd.s32 $0x4000, s10;
	[sflag:s20] =	ssyncset.done @!p0 $0x0;
	s19 =	smov.u32 @p2 s2  }
0x27: {  	s15 =	smov.u32 s11;
	[sflag:s20] =	ssyncadd.s32 @!p0 $0xFFFFC000;
	s11 =	smov.u32 s18  }
0x28: {  	s12 =	smov.u32 s19;
	s14 =	sadd.s32 $0x1, s14;
	s13 =	smov.u32 s21  }
.LBB1_1:
0x29: {  	p0 =	sge.u32 s14, s7;
	s31 =	sadd.s32 $0xFFFFFFFF, s14  }
0x2a: {  	s18 =	sxor.u32 @!p0 $0xFFFFFFFF, s14;
	s19 =	sand.u32 @!p0 $0x78, s11;
	s20 =	sshll.u32 @!p0 s12, $0xB  }
0x2b: {  	s21 =	sshll.u32 @!p0 s12, $0x7;
	s22 =	sshll.u32 @!p0 s11, $0x3;
	s18 =	sshll.u32 @!p0 s18, $0xE  }
0x2c: {  	s20 =	sand.u32 @!p0 $0x7FC000, s20;
	s21 =	sand.u32 @!p0 $0x380, s21;
	s18 =	sand.u32 @!p0 $0x4000, s18  }
0x2d: {  	s20 =	sadd.s32 @!p0 s20, s22;
	s22 =	sand.u32 @!p0 $0x400, s22;
	s19 =	sor.u32 @!p0 s21, s19  }
0x2e: {  	s21 =	sshll.u32 @!p0 s13, $0x14;
	s19 =	sor.u32 @!p0 s22, s19;
	s20 =	sshrl.u32 @!p0 s20, $0x3  }
0x2f: {  	s21 =	sadd.s32 @!p0 s3, s21;
	s22 =	sand.u32 @!p0 $0x7, s11;
	s20 =	sand.u32 @!p0 $0xFFF00, s20  }
0x30: {  	s19 =	sshrl.u32 @!p0 s19, $0x3;
	s20 =	sadd.s32 @!p0 s20, s21;
	s21 =	sshll.u32 @!p0 s22, $0x12  }
0x31: {  	s19 =	sadd.s32 @!p0 s19, s20;
	s20 =	sor.u32 @!p0 $0x400, s21;
	s21 =	simm.s32 @!p0 $0x4000  }
0x32: {  	[tilespmem:s18], [sflag:$0x1] =	stream.strided.gather @!p0 [hbm4b:s19+s20], $0x4000, s21, s20, $0x38;
	[tilespmem:$0x10000] =	vst v63  }
0x33: {  	p0 =	sge.u32 s31, s7  }
.Ltmp2:
0x34: {  	_ = 	snop;
	(pc) =	sbr.rel @p0 .LBB1_5-.Ltmp2, $1  }
0x35: {  	_ =	sdelay $0x3  }
0x36: {  	s18 =	sand.u32 $0x4000, s10  }
0x37: {  	s19 =	sor.u32 $0x40, s18  }
0x38: {  	v1 =	vmov s19;
	_ =	sdelay $0x1  }
0x39: {  	_ =	swait.ge [sflag:s6], $0x4000  }
0x3a: {  	[sflag:s6] =	ssyncset.done $0x0  }
0x3b: {  	s20 =	simm.s32 $0x0;
	[sflag:s6] =	ssyncadd.s32 $0xFFFFC000  }
0x3c: {  	s18 =	sor.u32 $0x8070, s18;
	v7 =	vld.idx.msk [tilespmem:v1+s20+$0x30 ss:$0x1], $0xffff  }
0x3d: {  	v0 =	vmov s18;
	v8 =	vld.idx.msk [tilespmem:v1+s20+$0xFFFFFFC0 ss:$0x1], $0xffff  }
0x3e: {  	v6 =	vld.idx.msk [tilespmem:v1+s20+$0xFFFFFFD0 ss:$0x1], $0xffff  }
0x3f: {  	v4 =	vld.idx.msk [tilespmem:v1+s20+$0xFFFFFFE0 ss:$0x1], $0xffff  }
0x40: {  	v2 =	vld.idx.msk [tilespmem:v1+s20+$0xFFFFFFF0 ss:$0x1], $0xffff  }
0x41: {  	s31 =	sshll.u32 s14, $0xE;
	v3 =	vld.idx.msk [tilespmem:v1+s20+$0x0 ss:$0x1], $0xffff  }
0x42: {  	s18 =	sand.u32 $0x4000, s31;
	v5 =	vld.idx.msk [tilespmem:v1+s20+$0x10 ss:$0x1], $0xffff;
	[tilespmem:v0+s20+$0x0 ss:$0x1] =	vst.idx.msk $0xffff, v7  }
0x43: {  	s21 =	simm.s32 $0x400;
	s19 =	simm.s32 $0x80;
	s18 =	sor.u32 $0x8000, s18;
	[tilespmem:v0+s20+$0xFFFFFF90 ss:$0x1] =	vst.idx.msk $0xffff, v8;
	v7 =	vld.idx.msk [tilespmem:v1+s20+$0x20 ss:$0x1], $0xffff  }
.LBB1_3:
0x44: {  	p0 =	sne.s32 s21, $0xFE00;
	v8 =	vld.idx.msk [tilespmem:v1+s19+$0x30 ss:$0x1], $0xffff;
	[tilespmem:v0+s20+$0xFFFFFFA0 ss:$0x1] =	vst.idx.msk $0xffff, v6  }
0x45: {  	v9 =	vld.idx.msk [tilespmem:v1+s19+$0xFFFFFFC0 ss:$0x1], $0xffff;
	[tilespmem:v0+s20+$0xFFFFFFB0 ss:$0x1] =	vst.idx.msk $0xffff, v4  }
0x46: {  	v6 =	vld.idx.msk [tilespmem:v1+s19+$0xFFFFFFD0 ss:$0x1], $0xffff;
	[tilespmem:v0+s20+$0xFFFFFFC0 ss:$0x1] =	vst.idx.msk $0xffff, v2  }
.Ltmp3:
0x47: {  	v4 =	vld.idx.msk [tilespmem:v1+s19+$0xFFFFFFE0 ss:$0x1], $0xffff;
	[tilespmem:v0+s20+$0xFFFFFFD0 ss:$0x1] =	vst.idx.msk $0xffff, v3;
	(pc) =	sbr.rel @p0 .LBB1_3-.Ltmp3, $4  }
0x48: {  	v2 =	vld.idx.msk [tilespmem:v1+s19+$0xFFFFFFF0 ss:$0x1], $0xffff;
	[tilespmem:v0+s20+$0xFFFFFFE0 ss:$0x1] =	vst.idx.msk $0xffff, v5  }
0x49: {  	v3 =	vld.idx.msk [tilespmem:v1+s19+$0x0 ss:$0x1], $0xffff;
	[tilespmem:v0+s20+$0xFFFFFFF0 ss:$0x1] =	vst.idx.msk $0xffff, v7;
	s20 =	smov.u32 s19  }
0x4a: {  	v5 =	vld.idx.msk [tilespmem:v1+s20+$0x10 ss:$0x1], $0xffff;
	[tilespmem:v0+s20+$0x0 ss:$0x1] =	vst.idx.msk $0xffff, v8  }
0x4b: {  	s19 =	sshra.s32 s21, $0x2;
	s21 =	sadd.s32 $0x200, s21;
	[tilespmem:v0+s20+$0xFFFFFF90 ss:$0x1] =	vst.idx.msk $0xffff, v9;
	v7 =	vld.idx.msk [tilespmem:v1+s20+$0x20 ss:$0x1], $0xffff  }
.Ltmp4:
0x4c: {  	_ = 	snop;
	(pc) =	sbr.rel .LBB1_4-.Ltmp4, $1  }
0x4d: {  	_ =	sdelay $0x3  }
.LBB1_6:
0x4e: {  	_ =	sfence.sel $0x180000  }
0x4f: {  	s2 =	simm.s32 $0x1;
	[bflag:$0x0] =	sbarrier.arrive $0xFFFF  }
0x50: {  	s31 =	simm.s32 $0x2;
	[sflag:s2] =	ssyncpa.u1 $0x1  }
0x51: {  	[sflag:s31] =	ssyncpa.u1 $0x1  }
0x52: {  	p0 =	sne.s32 s0, $0x0;
	_ =	strace $0x9000004A  }
0x53: {  	s0 =	sadd.s32 @!p0 $0x100000, s1;
	[bflag:$0x2] =	sbarrier.arrive $0xFFFF  }
0x54: {  	[sflag:s0] =	ssyncadd.tile.s32 @!p0 $0x1;
	_ =	shalt  }
.Lfunc_end1:
_tile_overlayer_lowered:
.L_overlay_start_2:
0x55: {  	(tag) =	ssettag $0x2  }
0x56: {  	s0 =	rddreg [dreg:$0x0];
	s2 =	stileid.u32  }
0x57: {  	s1 =	rddreg [dreg:$0x1];
	p0 =	sne.s32 s2, $0x0  }
0x58: {  	s3 =	rddreg [dreg:$0x2];
	[bflag:$0x3] =	sbarrier.arrive $0xFFFF;
	s2 =	simm.s32 @!p0 $0x1C01  }
0x59: {  	[timem:s3], [sflag:s2] =	dma.local @!p0 [hbm:s0], s1  }
0x5a: {  	s0 =	simm.s32 @!p0 $0x1  }
0x5b: {  	_ =	swait.ge @!p0 [sflag:s0], s1  }
0x5c: {  	s1 =	ssub.s32 @!p0 $0x0, s1;
	[sflag:s0] =	ssyncset.done @!p0 $0x0  }
0x5d: {  	[sflag:s0] =	ssyncadd.s32 @!p0 s1  }
0x5e: {  	[bflag:$0x3] =	sbarrier.arrive $0xFFFF  }
0x5f: {  	_ =	shalt  }

</sc_bundles>
